<compile_context>
chip_gen: v7x
topology: tpu7x:2x2x1
jax: 0.10.2.dev20260603
libtpu: 0.0.44.dev20260713+nightly
codegen_flags: <defaults>
</compile_context>

<pallas_src>
import functools

import jax
import jax.numpy as jnp
from jax import lax
from jax.experimental import pallas as pl
from jax.experimental.pallas import tpu as pltpu
from jax.experimental.pallas import tpu_sc as plsc


def _tc_proj_argmax(x2d, W, b2d, G, V, rows_per_step):
    BT, DIM = x2d.shape
    GV = G * V
    nsteps = BT // rows_per_step

    R = rows_per_step

    def body(x_ref, w_ref, b_ref, idx0_ref, idx1_ref, cnt_ref, h_s):
        idx_refs = (idx0_ref, idx1_ref)
        i = pl.program_id(0)
        j = lax.rem(i, 2)
        hp = h_s[1 - j]

        @pl.when(i == 1)
        def _():
            cnt_ref[...] = jnp.zeros_like(cnt_ref)

        iota_v = lax.broadcasted_iota(jnp.int32, (R, V), 1)
        for g, idx_ref in enumerate(idx_refs):
            hg = hp[:, g * V:(g + 1) * V]
            ig = jnp.argmax(hg, axis=1).astype(jnp.int32)
            idx_ref[...] = ig + g * V
            onehot = (iota_v == ig[:, None]).astype(jnp.float32)
            cnt_ref[g, :] += jnp.sum(onehot, axis=0)

        h = jnp.dot(x_ref[...], w_ref[...], preferred_element_type=jnp.float32)
        h_s[j] = h + b_ref[...]

        @pl.when(i == nsteps)
        def _():
            cnt_ref[...] = cnt_ref[...] * (1.0 / BT)

    last = nsteps - 1
    return pl.pallas_call(
        body,
        grid=(nsteps + 1,),
        in_specs=[
            pl.BlockSpec((R, DIM), lambda i: (jnp.minimum(i, last), 0)),
            pl.BlockSpec((DIM, GV), lambda i: (0, 0)),
            pl.BlockSpec((1, GV), lambda i: (0, 0)),
        ],
        out_specs=[
            pl.BlockSpec((R,), lambda i: (jnp.maximum(i - 1, 0),)),
            pl.BlockSpec((R,), lambda i: (jnp.maximum(i - 1, 0),)),
            pl.BlockSpec((G, V), lambda i: (0, 0)),
        ],
        out_shape=[
            jax.ShapeDtypeStruct((BT,), jnp.int32),
            jax.ShapeDtypeStruct((BT,), jnp.int32),
            jax.ShapeDtypeStruct((G, V), jnp.float32),
        ],
        scratch_shapes=[pltpu.VMEM((2, R, GV), jnp.float32)],
    )(x2d, W, b2d)


def _sc_gather(table, idx0, idx1, D):
    info = plsc.get_sparse_core_info()
    NC, NS = info.num_cores, info.num_subcores
    NW = NC * NS
    BT = idx0.shape[0]
    G = 2
    assert BT % (8 * NW) == 0
    t_per_w = BT // NW
    chunk = 64
    NB = 4
    nchunks = t_per_w // chunk
    items = [(c, g) for c in range(nchunks) for g in range(G)]
    mesh = plsc.VectorSubcoreMesh(core_axis_name="c", subcore_axis_name="s")

    @functools.partial(
        pl.kernel,
        mesh=mesh,
        out_type=jax.ShapeDtypeStruct((BT, G * D), jnp.float32),
        scratch_types=[
            pltpu.VMEM((t_per_w,), jnp.int32),
            pltpu.VMEM((t_per_w,), jnp.int32),
        ]
        + [pltpu.VMEM((chunk, D), jnp.float32) for _ in range(NB)]
        + [pltpu.SemaphoreType.DMA for _ in range(2 * NB)],
    )
    def k(table_hbm, idx0_hbm, idx1_hbm, out_hbm, v0, v1, *bufs_and_sems):
        bufs = bufs_and_sems[:NB]
        gsem = bufs_and_sems[NB:2 * NB]
        wsem = bufs_and_sems[2 * NB:3 * NB]
        wid = lax.axis_index("s") * NC + lax.axis_index("c")
        tb = wid * t_per_w
        pltpu.sync_copy(idx0_hbm.at[pl.ds(tb, t_per_w)], v0)
        pltpu.sync_copy(idx1_hbm.at[pl.ds(tb, t_per_w)], v1)
        idx_refs = (v0, v1)

        def gather(item, s):
            c, g = item
            return pltpu.async_copy(
                table_hbm.at[idx_refs[g].at[pl.ds(c * chunk, chunk)]],
                bufs[s], gsem[s])

        def writeback(item, s):
            c, g = item
            return pltpu.async_copy(
                bufs[s],
                out_hbm.at[pl.ds(tb + c * chunk, chunk), pl.ds(g * D, D)],
                wsem[s])

        gcp = [None] * NB
        wcp = [None] * NB
        for it in range(NB):
            gcp[it] = gather(items[it], it)
        for it in range(len(items)):
            s = it % NB
            gcp[s].wait()
            wcp[s] = writeback(items[it], s)
            n = it + NB
            if n < len(items):
                wcp[s].wait()
                gcp[s] = gather(items[n], s)
        for s in range(NB):
            if wcp[s] is not None:
                wcp[s].wait()

    return k(table, idx0, idx1)


def kernel(hidden_states, W_proj, b_proj, codebook):
    B, T, DIM = hidden_states.shape
    GV, D = codebook.shape
    V = 1024
    G = GV // V
    BT = B * T

    x2d = hidden_states.reshape(BT, DIM)
    b2d = b_proj.reshape(1, GV)
    idx0, idx1, perplexity = _tc_proj_argmax(
        x2d, W_proj, b2d, G, V, rows_per_step=512)
    gathered = _sc_gather(codebook, idx0, idx1, D)
    code_vectors = gathered.reshape(B, T, G * D)
    return (code_vectors, perplexity)

# --- scband reference (transcript-rebuilt; emitter-appended) ---
"""Pipeline reference for scband-gumbel-vector-quantizer-31353261261416 (READ-ONLY COPY).

The authoritative reference and input builder live on the scoring server;
editing this copy changes nothing except your own understanding.
"""

import jax, jax.numpy as jnp
import numpy as np

B, T, DIM = 4, 4096, 2048
G, V = 2, 1024
CODE_DIM = 256  # codevector_dim 512 // groups 2


def setup_inputs(seed: int = 0) -> dict:
    key = jax.random.key(seed)
    k1, k2, k3 = jax.random.split(key, 3)
    hidden_states = jax.random.normal(k1, (B, T, DIM), dtype=jnp.float32)
    W_proj = jax.random.normal(k2, (DIM, G * V), dtype=jnp.float32) * 0.02
    b_proj = jnp.zeros((G * V,), dtype=jnp.float32)
    codebook = jax.random.uniform(k3, (G * V, CODE_DIM), dtype=jnp.float32)
    return {"hidden_states": hidden_states, "W_proj": W_proj, "b_proj": b_proj, "codebook": codebook}


def reference(hidden_states, W_proj, b_proj, codebook):
    # eval-mode path of GumbelVectorQuantizer.forward (self.training == False)
    b, t, _ = hidden_states.shape
    h = hidden_states @ W_proj + b_proj              # (B, T, G*V)  weight_proj
    h = h.reshape(b * t, G, V)                        # '(b t) g v'
    codevector_idx = jnp.argmax(h, axis=-1)           # (BT, G)
    codevector_probs = jax.nn.one_hot(codevector_idx, V, dtype=h.dtype)  # scatter_ 1.0 -> one-hot
    # perplexity: mask is None -> mean over BT
    perplexity = codevector_probs.mean(axis=0)        # (G, V)
    cb = codebook.reshape(G, V, CODE_DIM)             # '(g v) d -> g v d'
    group_vectors = jnp.einsum('bgv,gvd->bgd', codevector_probs, cb)  # (BT, G, d)
    code_vectors = group_vectors.reshape(b, t, G * CODE_DIM)           # (B, T, codevector_dim)
    return (code_vectors, perplexity)

if __name__ == "__main__":
    import jax
    _d = setup_inputs()
    print(jax.jit(kernel)(*tuple(_d.values())))

</pallas_src>

<mosaic_0001>
#map = affine_map<(d0, d1) -> (0, 0)>
#map1 = affine_map<(d0, d1) -> (0)>
module attributes {stable_mosaic.version = 14 : i64} {
  func.func @k(%arg0: i32, %arg1: i32, %arg2: memref<2048x256xf32, #tpu.memory_space<hbm>>, %arg3: memref<16384xi32, #tpu.memory_space<hbm>>, %arg4: memref<16384xi32, #tpu.memory_space<hbm>>, %arg5: memref<16384x512xf32, #tpu.memory_space<hbm>>, %arg6: memref<512xi32, #tpu.memory_space<vmem>>, %arg7: memref<512xi32, #tpu.memory_space<vmem>>, %arg8: memref<64x256xf32, #tpu.memory_space<vmem>>, %arg9: memref<64x256xf32, #tpu.memory_space<vmem>>, %arg10: memref<64x256xf32, #tpu.memory_space<vmem>>, %arg11: memref<64x256xf32, #tpu.memory_space<vmem>>, %arg12: memref<!tpu.dma_semaphore, #tpu.memory_space<semaphore_mem>>, %arg13: memref<!tpu.dma_semaphore, #tpu.memory_space<semaphore_mem>>, %arg14: memref<!tpu.dma_semaphore, #tpu.memory_space<semaphore_mem>>, %arg15: memref<!tpu.dma_semaphore, #tpu.memory_space<semaphore_mem>>, %arg16: memref<!tpu.dma_semaphore, #tpu.memory_space<semaphore_mem>>, %arg17: memref<!tpu.dma_semaphore, #tpu.memory_space<semaphore_mem>>, %arg18: memref<!tpu.dma_semaphore, #tpu.memory_space<semaphore_mem>>, %arg19: memref<!tpu.dma_semaphore, #tpu.memory_space<semaphore_mem>>) attributes {dimension_semantics = [#tpu.dimension_semantics<core_parallel>, #tpu.dimension_semantics<subcore_parallel>], iteration_bounds = array<i64: 2, 16>, scalar_prefetch = 0 : i64, scratch_operands = 14 : i64, tpu.core_type = #tpu.core_type<sc_vector_subcore>, window_params = [{transform_indices = #map}, {transform_indices = #map1}, {transform_indices = #map1}, {transform_indices = #map}]} {
    %mul3A = arith.constant 2 : i32
    %mul3A_0 = arith.muli %arg1, %mul3A : i32
    %add3A = arith.addi %mul3A_0, %arg0 : i32
    %mul3A_1 = arith.constant 512 : i32
    %mul3A_2 = arith.muli %add3A, %mul3A_1 : i32
    "tpu.region"() ({
      %run_scoped3A = tpu.sem_alloc : memref<!tpu.dma_semaphore, #tpu.memory_space<semaphore_mem>>
      %dma_start3A_321 = tpu.memref_slice %arg3[%mul3A_2] : memref<16384xi32, #tpu.memory_space<hbm>> -> memref<512xi32, #tpu.memory_space<hbm>>
      %dma_start3A_322 = tpu.memref_slice %arg3[%mul3A_2] : memref<16384xi32, #tpu.memory_space<hbm>> -> memref<512xi32, #tpu.memory_space<hbm>>
      tpu.enqueue_dma source(%dma_start3A_322 : memref<512xi32, #tpu.memory_space<hbm>>) target(%arg6 : memref<512xi32, #tpu.memory_space<vmem>>) target_semaphore(%run_scoped3A : memref<!tpu.dma_semaphore, #tpu.memory_space<semaphore_mem>>)
      %dma_wait3A_323 = tpu.memref_slice %arg3[%mul3A_2] : memref<16384xi32, #tpu.memory_space<hbm>> -> memref<512xi32, #tpu.memory_space<hbm>>
      %dma_wait3A_324 = tpu.memref_slice %arg3[%mul3A_2] : memref<16384xi32, #tpu.memory_space<hbm>> -> memref<512xi32, #tpu.memory_space<hbm>>
      tpu.wait_dma2 semaphore(%run_scoped3A : memref<!tpu.dma_semaphore, #tpu.memory_space<semaphore_mem>>) src(%dma_wait3A_324 : memref<512xi32, #tpu.memory_space<hbm>>) dst(%arg6 : memref<512xi32, #tpu.memory_space<vmem>>)
      tpu.yield
    }) : () -> ()
    "tpu.region"() ({
      %run_scoped3A = tpu.sem_alloc : memref<!tpu.dma_semaphore, #tpu.memory_space<semaphore_mem>>
      %dma_start3A_321 = tpu.memref_slice %arg4[%mul3A_2] : memref<16384xi32, #tpu.memory_space<hbm>> -> memref<512xi32, #tpu.memory_space<hbm>>
      %dma_start3A_322 = tpu.memref_slice %arg4[%mul3A_2] : memref<16384xi32, #tpu.memory_space<hbm>> -> memref<512xi32, #tpu.memory_space<hbm>>
      tpu.enqueue_dma source(%dma_start3A_322 : memref<512xi32, #tpu.memory_space<hbm>>) target(%arg7 : memref<512xi32, #tpu.memory_space<vmem>>) target_semaphore(%run_scoped3A : memref<!tpu.dma_semaphore, #tpu.memory_space<semaphore_mem>>)
      %dma_wait3A_323 = tpu.memref_slice %arg4[%mul3A_2] : memref<16384xi32, #tpu.memory_space<hbm>> -> memref<512xi32, #tpu.memory_space<hbm>>
      %dma_wait3A_324 = tpu.memref_slice %arg4[%mul3A_2] : memref<16384xi32, #tpu.memory_space<hbm>> -> memref<512xi32, #tpu.memory_space<hbm>>
      tpu.wait_dma2 semaphore(%run_scoped3A : memref<!tpu.dma_semaphore, #tpu.memory_space<semaphore_mem>>) src(%dma_wait3A_324 : memref<512xi32, #tpu.memory_space<hbm>>) dst(%arg7 : memref<512xi32, #tpu.memory_space<vmem>>)
      tpu.yield
    }) : () -> ()
    %dma_start3A = arith.constant 0 : i32
    %dma_start3A_3 = tpu.memref_slice %arg6[%dma_start3A] : memref<512xi32, #tpu.memory_space<vmem>> -> memref<64xi32, #tpu.memory_space<vmem>>
    %dma_start3A_4 = arith.constant 0 : i32
    %dma_start3A_5 = arith.constant 0 : i32
    %dma_start3A_6 = tpu.memref_slice %arg2[%dma_start3A_4, %dma_start3A_5] : memref<2048x256xf32, #tpu.memory_space<hbm>> -> memref<2048x256xf32, #tpu.memory_space<hbm>>
    tpu.enqueue_indirect_dma source(%dma_start3A_6 : memref<2048x256xf32, #tpu.memory_space<hbm>>) target(%arg8 : memref<64x256xf32, #tpu.memory_space<vmem>>) offsets(%dma_start3A_3 : memref<64xi32, #tpu.memory_space<vmem>>) semaphore(%arg12 : memref<!tpu.dma_semaphore, #tpu.memory_space<semaphore_mem>>)
    %dma_start3A_7 = arith.constant 0 : i32
    %dma_start3A_8 = tpu.memref_slice %arg7[%dma_start3A_7] : memref<512xi32, #tpu.memory_space<vmem>> -> memref<64xi32, #tpu.memory_space<vmem>>
    %dma_start3A_9 = arith.constant 0 : i32
    %dma_start3A_10 = arith.constant 0 : i32
    %dma_start3A_11 = tpu.memref_slice %arg2[%dma_start3A_9, %dma_start3A_10] : memref<2048x256xf32, #tpu.memory_space<hbm>> -> memref<2048x256xf32, #tpu.memory_space<hbm>>
    tpu.enqueue_indirect_dma source(%dma_start3A_11 : memref<2048x256xf32, #tpu.memory_space<hbm>>) target(%arg9 : memref<64x256xf32, #tpu.memory_space<vmem>>) offsets(%dma_start3A_8 : memref<64xi32, #tpu.memory_space<vmem>>) semaphore(%arg13 : memref<!tpu.dma_semaphore, #tpu.memory_space<semaphore_mem>>)
    %dma_start3A_12 = arith.constant 64 : i32
    %dma_start3A_13 = tpu.memref_slice %arg6[%dma_start3A_12] : memref<512xi32, #tpu.memory_space<vmem>> -> memref<64xi32, #tpu.memory_space<vmem>>
    %dma_start3A_14 = arith.constant 0 : i32
    %dma_start3A_15 = arith.constant 0 : i32
    %dma_start3A_16 = tpu.memref_slice %arg2[%dma_start3A_14, %dma_start3A_15] : memref<2048x256xf32, #tpu.memory_space<hbm>> -> memref<2048x256xf32, #tpu.memory_space<hbm>>
    tpu.enqueue_indirect_dma source(%dma_start3A_16 : memref<2048x256xf32, #tpu.memory_space<hbm>>) target(%arg10 : memref<64x256xf32, #tpu.memory_space<vmem>>) offsets(%dma_start3A_13 : memref<64xi32, #tpu.memory_space<vmem>>) semaphore(%arg14 : memref<!tpu.dma_semaphore, #tpu.memory_space<semaphore_mem>>)
    %dma_start3A_17 = arith.constant 64 : i32
    %dma_start3A_18 = tpu.memref_slice %arg7[%dma_start3A_17] : memref<512xi32, #tpu.memory_space<vmem>> -> memref<64xi32, #tpu.memory_space<vmem>>
    %dma_start3A_19 = arith.constant 0 : i32
    %dma_start3A_20 = arith.constant 0 : i32
    %dma_start3A_21 = tpu.memref_slice %arg2[%dma_start3A_19, %dma_start3A_20] : memref<2048x256xf32, #tpu.memory_space<hbm>> -> memref<2048x256xf32, #tpu.memory_space<hbm>>
    tpu.enqueue_indirect_dma source(%dma_start3A_21 : memref<2048x256xf32, #tpu.memory_space<hbm>>) target(%arg11 : memref<64x256xf32, #tpu.memory_space<vmem>>) offsets(%dma_start3A_18 : memref<64xi32, #tpu.memory_space<vmem>>) semaphore(%arg15 : memref<!tpu.dma_semaphore, #tpu.memory_space<semaphore_mem>>)
    %dma_wait3A = arith.constant 0 : i32
    %dma_wait3A_22 = tpu.memref_slice %arg6[%dma_wait3A] : memref<512xi32, #tpu.memory_space<vmem>> -> memref<64xi32, #tpu.memory_space<vmem>>
    %dma_wait3A_23 = arith.constant 0 : i32
    %dma_wait3A_24 = arith.constant 0 : i32
    %dma_wait3A_25 = tpu.memref_slice %arg2[%dma_wait3A_23, %dma_wait3A_24] : memref<2048x256xf32, #tpu.memory_space<hbm>> -> memref<2048x256xf32, #tpu.memory_space<hbm>>
    tpu.wait_indirect_dma semaphore(%arg12 : memref<!tpu.dma_semaphore, #tpu.memory_space<semaphore_mem>>) src(%dma_wait3A_25 : memref<2048x256xf32, #tpu.memory_space<hbm>>) dst(%arg8 : memref<64x256xf32, #tpu.memory_space<vmem>>)
    %add3A_26 = arith.constant 0 : i32
    %add3A_27 = arith.addi %mul3A_2, %add3A_26 : i32
    %dma_start3A_28 = arith.constant 0 : i32
    %dma_start3A_29 = tpu.memref_slice %arg5[%add3A_27, %dma_start3A_28] : memref<16384x512xf32, #tpu.memory_space<hbm>> -> memref<64x256xf32, #tpu.memory_space<hbm>>
    %dma_start3A_30 = arith.constant 0 : i32
    %dma_start3A_31 = tpu.memref_slice %arg5[%add3A_27, %dma_start3A_30] : memref<16384x512xf32, #tpu.memory_space<hbm>> -> memref<64x256xf32, #tpu.memory_space<hbm>>
    tpu.enqueue_dma source(%arg8 : memref<64x256xf32, #tpu.memory_space<vmem>>) target(%dma_start3A_31 : memref<64x256xf32, #tpu.memory_space<hbm>>) target_semaphore(%arg16 : memref<!tpu.dma_semaphore, #tpu.memory_space<semaphore_mem>>)
    %dma_wait3A_32 = arith.constant 0 : i32
    %dma_wait3A_33 = tpu.memref_slice %arg5[%add3A_27, %dma_wait3A_32] : memref<16384x512xf32, #tpu.memory_space<hbm>> -> memref<64x256xf32, #tpu.memory_space<hbm>>
    %dma_wait3A_34 = arith.constant 0 : i32
    %dma_wait3A_35 = tpu.memref_slice %arg5[%add3A_27, %dma_wait3A_34] : memref<16384x512xf32, #tpu.memory_space<hbm>> -> memref<64x256xf32, #tpu.memory_space<hbm>>
    tpu.wait_dma2 semaphore(%arg16 : memref<!tpu.dma_semaphore, #tpu.memory_space<semaphore_mem>>) src(%arg8 : memref<64x256xf32, #tpu.memory_space<vmem>>) dst(%dma_wait3A_35 : memref<64x256xf32, #tpu.memory_space<hbm>>)
    %dma_start3A_36 = arith.constant 128 : i32
    %dma_start3A_37 = tpu.memref_slice %arg6[%dma_start3A_36] : memref<512xi32, #tpu.memory_space<vmem>> -> memref<64xi32, #tpu.memory_space<vmem>>
    %dma_start3A_38 = arith.constant 0 : i32
    %dma_start3A_39 = arith.constant 0 : i32
    %dma_start3A_40 = tpu.memref_slice %arg2[%dma_start3A_38, %dma_start3A_39] : memref<2048x256xf32, #tpu.memory_space<hbm>> -> memref<2048x256xf32, #tpu.memory_space<hbm>>
    tpu.enqueue_indirect_dma source(%dma_start3A_40 : memref<2048x256xf32, #tpu.memory_space<hbm>>) target(%arg8 : memref<64x256xf32, #tpu.memory_space<vmem>>) offsets(%dma_start3A_37 : memref<64xi32, #tpu.memory_space<vmem>>) semaphore(%arg12 : memref<!tpu.dma_semaphore, #tpu.memory_space<semaphore_mem>>)
    %dma_wait3A_41 = arith.constant 0 : i32
    %dma_wait3A_42 = tpu.memref_slice %arg7[%dma_wait3A_41] : memref<512xi32, #tpu.memory_space<vmem>> -> memref<64xi32, #tpu.memory_space<vmem>>
    %dma_wait3A_43 = arith.constant 0 : i32
    %dma_wait3A_44 = arith.constant 0 : i32
    %dma_wait3A_45 = tpu.memref_slice %arg2[%dma_wait3A_43, %dma_wait3A_44] : memref<2048x256xf32, #tpu.memory_space<hbm>> -> memref<2048x256xf32, #tpu.memory_space<hbm>>
    tpu.wait_indirect_dma semaphore(%arg13 : memref<!tpu.dma_semaphore, #tpu.memory_space<semaphore_mem>>) src(%dma_wait3A_45 : memref<2048x256xf32, #tpu.memory_space<hbm>>) dst(%arg9 : memref<64x256xf32, #tpu.memory_space<vmem>>)
    %add3A_46 = arith.constant 0 : i32
    %add3A_47 = arith.addi %mul3A_2, %add3A_46 : i32
    %dma_start3A_48 = arith.constant 256 : i32
    %dma_start3A_49 = tpu.memref_slice %arg5[%add3A_47, %dma_start3A_48] : memref<16384x512xf32, #tpu.memory_space<hbm>> -> memref<64x256xf32, #tpu.memory_space<hbm>>
    %dma_start3A_50 = arith.constant 256 : i32
    %dma_start3A_51 = tpu.memref_slice %arg5[%add3A_47, %dma_start3A_50] : memref<16384x512xf32, #tpu.memory_space<hbm>> -> memref<64x256xf32, #tpu.memory_space<hbm>>
    tpu.enqueue_dma source(%arg9 : memref<64x256xf32, #tpu.memory_space<vmem>>) target(%dma_start3A_51 : memref<64x256xf32, #tpu.memory_space<hbm>>) target_semaphore(%arg17 : memref<!tpu.dma_semaphore, #tpu.memory_space<semaphore_mem>>)
    %dma_wait3A_52 = arith.constant 256 : i32
    %dma_wait3A_53 = tpu.memref_slice %arg5[%add3A_47, %dma_wait3A_52] : memref<16384x512xf32, #tpu.memory_space<hbm>> -> memref<64x256xf32, #tpu.memory_space<hbm>>
    %dma_wait3A_54 = arith.constant 256 : i32
    %dma_wait3A_55 = tpu.memref_slice %arg5[%add3A_47, %dma_wait3A_54] : memref<16384x512xf32, #tpu.memory_space<hbm>> -> memref<64x256xf32, #tpu.memory_space<hbm>>
    tpu.wait_dma2 semaphore(%arg17 : memref<!tpu.dma_semaphore, #tpu.memory_space<semaphore_mem>>) src(%arg9 : memref<64x256xf32, #tpu.memory_space<vmem>>) dst(%dma_wait3A_55 : memref<64x256xf32, #tpu.memory_space<hbm>>)
    %dma_start3A_56 = arith.constant 128 : i32
    %dma_start3A_57 = tpu.memref_slice %arg7[%dma_start3A_56] : memref<512xi32, #tpu.memory_space<vmem>> -> memref<64xi32, #tpu.memory_space<vmem>>
    %dma_start3A_58 = arith.constant 0 : i32
    %dma_start3A_59 = arith.constant 0 : i32
    %dma_start3A_60 = tpu.memref_slice %arg2[%dma_start3A_58, %dma_start3A_59] : memref<2048x256xf32, #tpu.memory_space<hbm>> -> memref<2048x256xf32, #tpu.memory_space<hbm>>
    tpu.enqueue_indirect_dma source(%dma_start3A_60 : memref<2048x256xf32, #tpu.memory_space<hbm>>) target(%arg9 : memref<64x256xf32, #tpu.memory_space<vmem>>) offsets(%dma_start3A_57 : memref<64xi32, #tpu.memory_space<vmem>>) semaphore(%arg13 : memref<!tpu.dma_semaphore, #tpu.memory_space<semaphore_mem>>)
    %dma_wait3A_61 = arith.constant 64 : i32
    %dma_wait3A_62 = tpu.memref_slice %arg6[%dma_wait3A_61] : memref<512xi32, #tpu.memory_space<vmem>> -> memref<64xi32, #tpu.memory_space<vmem>>
    %dma_wait3A_63 = arith.constant 0 : i32
    %dma_wait3A_64 = arith.constant 0 : i32
    %dma_wait3A_65 = tpu.memref_slice %arg2[%dma_wait3A_63, %dma_wait3A_64] : memref<2048x256xf32, #tpu.memory_space<hbm>> -> memref<2048x256xf32, #tpu.memory_space<hbm>>
    tpu.wait_indirect_dma semaphore(%arg14 : memref<!tpu.dma_semaphore, #tpu.memory_space<semaphore_mem>>) src(%dma_wait3A_65 : memref<2048x256xf32, #tpu.memory_space<hbm>>) dst(%arg10 : memref<64x256xf32, #tpu.memory_space<vmem>>)
    %add3A_66 = arith.constant 64 : i32
    %add3A_67 = arith.addi %mul3A_2, %add3A_66 : i32
    %dma_start3A_68 = arith.constant 0 : i32
    %dma_start3A_69 = tpu.memref_slice %arg5[%add3A_67, %dma_start3A_68] : memref<16384x512xf32, #tpu.memory_space<hbm>> -> memref<64x256xf32, #tpu.memory_space<hbm>>
    %dma_start3A_70 = arith.constant 0 : i32
    %dma_start3A_71 = tpu.memref_slice %arg5[%add3A_67, %dma_start3A_70] : memref<16384x512xf32, #tpu.memory_space<hbm>> -> memref<64x256xf32, #tpu.memory_space<hbm>>
    tpu.enqueue_dma source(%arg10 : memref<64x256xf32, #tpu.memory_space<vmem>>) target(%dma_start3A_71 : memref<64x256xf32, #tpu.memory_space<hbm>>) target_semaphore(%arg18 : memref<!tpu.dma_semaphore, #tpu.memory_space<semaphore_mem>>)
    %dma_wait3A_72 = arith.constant 0 : i32
    %dma_wait3A_73 = tpu.memref_slice %arg5[%add3A_67, %dma_wait3A_72] : memref<16384x512xf32, #tpu.memory_space<hbm>> -> memref<64x256xf32, #tpu.memory_space<hbm>>
    %dma_wait3A_74 = arith.constant 0 : i32
    %dma_wait3A_75 = tpu.memref_slice %arg5[%add3A_67, %dma_wait3A_74] : memref<16384x512xf32, #tpu.memory_space<hbm>> -> memref<64x256xf32, #tpu.memory_space<hbm>>
    tpu.wait_dma2 semaphore(%arg18 : memref<!tpu.dma_semaphore, #tpu.memory_space<semaphore_mem>>) src(%arg10 : memref<64x256xf32, #tpu.memory_space<vmem>>) dst(%dma_wait3A_75 : memref<64x256xf32, #tpu.memory_space<hbm>>)
    %dma_start3A_76 = arith.constant 192 : i32
    %dma_start3A_77 = tpu.memref_slice %arg6[%dma_start3A_76] : memref<512xi32, #tpu.memory_space<vmem>> -> memref<64xi32, #tpu.memory_space<vmem>>
    %dma_start3A_78 = arith.constant 0 : i32
    %dma_start3A_79 = arith.constant 0 : i32
    %dma_start3A_80 = tpu.memref_slice %arg2[%dma_start3A_78, %dma_start3A_79] : memref<2048x256xf32, #tpu.memory_space<hbm>> -> memref<2048x256xf32, #tpu.memory_space<hbm>>
    tpu.enqueue_indirect_dma source(%dma_start3A_80 : memref<2048x256xf32, #tpu.memory_space<hbm>>) target(%arg10 : memref<64x256xf32, #tpu.memory_space<vmem>>) offsets(%dma_start3A_77 : memref<64xi32, #tpu.memory_space<vmem>>) semaphore(%arg14 : memref<!tpu.dma_semaphore, #tpu.memory_space<semaphore_mem>>)
    %dma_wait3A_81 = arith.constant 64 : i32
    %dma_wait3A_82 = tpu.memref_slice %arg7[%dma_wait3A_81] : memref<512xi32, #tpu.memory_space<vmem>> -> memref<64xi32, #tpu.memory_space<vmem>>
    %dma_wait3A_83 = arith.constant 0 : i32
    %dma_wait3A_84 = arith.constant 0 : i32
    %dma_wait3A_85 = tpu.memref_slice %arg2[%dma_wait3A_83, %dma_wait3A_84] : memref<2048x256xf32, #tpu.memory_space<hbm>> -> memref<2048x256xf32, #tpu.memory_space<hbm>>
    tpu.wait_indirect_dma semaphore(%arg15 : memref<!tpu.dma_semaphore, #tpu.memory_space<semaphore_mem>>) src(%dma_wait3A_85 : memref<2048x256xf32, #tpu.memory_space<hbm>>) dst(%arg11 : memref<64x256xf32, #tpu.memory_space<vmem>>)
    %add3A_86 = arith.constant 64 : i32
    %add3A_87 = arith.addi %mul3A_2, %add3A_86 : i32
    %dma_start3A_88 = arith.constant 256 : i32
    %dma_start3A_89 = tpu.memref_slice %arg5[%add3A_87, %dma_start3A_88] : memref<16384x512xf32, #tpu.memory_space<hbm>> -> memref<64x256xf32, #tpu.memory_space<hbm>>
    %dma_start3A_90 = arith.constant 256 : i32
    %dma_start3A_91 = tpu.memref_slice %arg5[%add3A_87, %dma_start3A_90] : memref<16384x512xf32, #tpu.memory_space<hbm>> -> memref<64x256xf32, #tpu.memory_space<hbm>>
    tpu.enqueue_dma source(%arg11 : memref<64x256xf32, #tpu.memory_space<vmem>>) target(%dma_start3A_91 : memref<64x256xf32, #tpu.memory_space<hbm>>) target_semaphore(%arg19 : memref<!tpu.dma_semaphore, #tpu.memory_space<semaphore_mem>>)
    %dma_wait3A_92 = arith.constant 256 : i32
    %dma_wait3A_93 = tpu.memref_slice %arg5[%add3A_87, %dma_wait3A_92] : memref<16384x512xf32, #tpu.memory_space<hbm>> -> memref<64x256xf32, #tpu.memory_space<hbm>>
    %dma_wait3A_94 = arith.constant 256 : i32
    %dma_wait3A_95 = tpu.memref_slice %arg5[%add3A_87, %dma_wait3A_94] : memref<16384x512xf32, #tpu.memory_space<hbm>> -> memref<64x256xf32, #tpu.memory_space<hbm>>
    tpu.wait_dma2 semaphore(%arg19 : memref<!tpu.dma_semaphore, #tpu.memory_space<semaphore_mem>>) src(%arg11 : memref<64x256xf32, #tpu.memory_space<vmem>>) dst(%dma_wait3A_95 : memref<64x256xf32, #tpu.memory_space<hbm>>)
    %dma_start3A_96 = arith.constant 192 : i32
    %dma_start3A_97 = tpu.memref_slice %arg7[%dma_start3A_96] : memref<512xi32, #tpu.memory_space<vmem>> -> memref<64xi32, #tpu.memory_space<vmem>>
    %dma_start3A_98 = arith.constant 0 : i32
    %dma_start3A_99 = arith.constant 0 : i32
    %dma_start3A_100 = tpu.memref_slice %arg2[%dma_start3A_98, %dma_start3A_99] : memref<2048x256xf32, #tpu.memory_space<hbm>> -> memref<2048x256xf32, #tpu.memory_space<hbm>>
    tpu.enqueue_indirect_dma source(%dma_start3A_100 : memref<2048x256xf32, #tpu.memory_space<hbm>>) target(%arg11 : memref<64x256xf32, #tpu.memory_space<vmem>>) offsets(%dma_start3A_97 : memref<64xi32, #tpu.memory_space<vmem>>) semaphore(%arg15 : memref<!tpu.dma_semaphore, #tpu.memory_space<semaphore_mem>>)
    %dma_wait3A_101 = arith.constant 128 : i32
    %dma_wait3A_102 = tpu.memref_slice %arg6[%dma_wait3A_101] : memref<512xi32, #tpu.memory_space<vmem>> -> memref<64xi32, #tpu.memory_space<vmem>>
    %dma_wait3A_103 = arith.constant 0 : i32
    %dma_wait3A_104 = arith.constant 0 : i32
    %dma_wait3A_105 = tpu.memref_slice %arg2[%dma_wait3A_103, %dma_wait3A_104] : memref<2048x256xf32, #tpu.memory_space<hbm>> -> memref<2048x256xf32, #tpu.memory_space<hbm>>
    tpu.wait_indirect_dma semaphore(%arg12 : memref<!tpu.dma_semaphore, #tpu.memory_space<semaphore_mem>>) src(%dma_wait3A_105 : memref<2048x256xf32, #tpu.memory_space<hbm>>) dst(%arg8 : memref<64x256xf32, #tpu.memory_space<vmem>>)
    %add3A_106 = arith.constant 128 : i32
    %add3A_107 = arith.addi %mul3A_2, %add3A_106 : i32
    %dma_start3A_108 = arith.constant 0 : i32
    %dma_start3A_109 = tpu.memref_slice %arg5[%add3A_107, %dma_start3A_108] : memref<16384x512xf32, #tpu.memory_space<hbm>> -> memref<64x256xf32, #tpu.memory_space<hbm>>
    %dma_start3A_110 = arith.constant 0 : i32
    %dma_start3A_111 = tpu.memref_slice %arg5[%add3A_107, %dma_start3A_110] : memref<16384x512xf32, #tpu.memory_space<hbm>> -> memref<64x256xf32, #tpu.memory_space<hbm>>
    tpu.enqueue_dma source(%arg8 : memref<64x256xf32, #tpu.memory_space<vmem>>) target(%dma_start3A_111 : memref<64x256xf32, #tpu.memory_space<hbm>>) target_semaphore(%arg16 : memref<!tpu.dma_semaphore, #tpu.memory_space<semaphore_mem>>)
    %dma_wait3A_112 = arith.constant 0 : i32
    %dma_wait3A_113 = tpu.memref_slice %arg5[%add3A_107, %dma_wait3A_112] : memref<16384x512xf32, #tpu.memory_space<hbm>> -> memref<64x256xf32, #tpu.memory_space<hbm>>
    %dma_wait3A_114 = arith.constant 0 : i32
    %dma_wait3A_115 = tpu.memref_slice %arg5[%add3A_107, %dma_wait3A_114] : memref<16384x512xf32, #tpu.memory_space<hbm>> -> memref<64x256xf32, #tpu.memory_space<hbm>>
    tpu.wait_dma2 semaphore(%arg16 : memref<!tpu.dma_semaphore, #tpu.memory_space<semaphore_mem>>) src(%arg8 : memref<64x256xf32, #tpu.memory_space<vmem>>) dst(%dma_wait3A_115 : memref<64x256xf32, #tpu.memory_space<hbm>>)
    %dma_start3A_116 = arith.constant 256 : i32
    %dma_start3A_117 = tpu.memref_slice %arg6[%dma_start3A_116] : memref<512xi32, #tpu.memory_space<vmem>> -> memref<64xi32, #tpu.memory_space<vmem>>
    %dma_start3A_118 = arith.constant 0 : i32
    %dma_start3A_119 = arith.constant 0 : i32
    %dma_start3A_120 = tpu.memref_slice %arg2[%dma_start3A_118, %dma_start3A_119] : memref<2048x256xf32, #tpu.memory_space<hbm>> -> memref<2048x256xf32, #tpu.memory_space<hbm>>
    tpu.enqueue_indirect_dma source(%dma_start3A_120 : memref<2048x256xf32, #tpu.memory_space<hbm>>) target(%arg8 : memref<64x256xf32, #tpu.memory_space<vmem>>) offsets(%dma_start3A_117 : memref<64xi32, #tpu.memory_space<vmem>>) semaphore(%arg12 : memref<!tpu.dma_semaphore, #tpu.memory_space<semaphore_mem>>)
    %dma_wait3A_121 = arith.constant 128 : i32
    %dma_wait3A_122 = tpu.memref_slice %arg7[%dma_wait3A_121] : memref<512xi32, #tpu.memory_space<vmem>> -> memref<64xi32, #tpu.memory_space<vmem>>
    %dma_wait3A_123 = arith.constant 0 : i32
    %dma_wait3A_124 = arith.constant 0 : i32
    %dma_wait3A_125 = tpu.memref_slice %arg2[%dma_wait3A_123, %dma_wait3A_124] : memref<2048x256xf32, #tpu.memory_space<hbm>> -> memref<2048x256xf32, #tpu.memory_space<hbm>>
    tpu.wait_indirect_dma semaphore(%arg13 : memref<!tpu.dma_semaphore, #tpu.memory_space<semaphore_mem>>) src(%dma_wait3A_125 : memref<2048x256xf32, #tpu.memory_space<hbm>>) dst(%arg9 : memref<64x256xf32, #tpu.memory_space<vmem>>)
    %add3A_126 = arith.constant 128 : i32
    %add3A_127 = arith.addi %mul3A_2, %add3A_126 : i32
    %dma_start3A_128 = arith.constant 256 : i32
    %dma_start3A_129 = tpu.memref_slice %arg5[%add3A_127, %dma_start3A_128] : memref<16384x512xf32, #tpu.memory_space<hbm>> -> memref<64x256xf32, #tpu.memory_space<hbm>>
    %dma_start3A_130 = arith.constant 256 : i32
    %dma_start3A_131 = tpu.memref_slice %arg5[%add3A_127, %dma_start3A_130] : memref<16384x512xf32, #tpu.memory_space<hbm>> -> memref<64x256xf32, #tpu.memory_space<hbm>>
    tpu.enqueue_dma source(%arg9 : memref<64x256xf32, #tpu.memory_space<vmem>>) target(%dma_start3A_131 : memref<64x256xf32, #tpu.memory_space<hbm>>) target_semaphore(%arg17 : memref<!tpu.dma_semaphore, #tpu.memory_space<semaphore_mem>>)
    %dma_wait3A_132 = arith.constant 256 : i32
    %dma_wait3A_133 = tpu.memref_slice %arg5[%add3A_127, %dma_wait3A_132] : memref<16384x512xf32, #tpu.memory_space<hbm>> -> memref<64x256xf32, #tpu.memory_space<hbm>>
    %dma_wait3A_134 = arith.constant 256 : i32
    %dma_wait3A_135 = tpu.memref_slice %arg5[%add3A_127, %dma_wait3A_134] : memref<16384x512xf32, #tpu.memory_space<hbm>> -> memref<64x256xf32, #tpu.memory_space<hbm>>
    tpu.wait_dma2 semaphore(%arg17 : memref<!tpu.dma_semaphore, #tpu.memory_space<semaphore_mem>>) src(%arg9 : memref<64x256xf32, #tpu.memory_space<vmem>>) dst(%dma_wait3A_135 : memref<64x256xf32, #tpu.memory_space<hbm>>)
    %dma_start3A_136 = arith.constant 256 : i32
    %dma_start3A_137 = tpu.memref_slice %arg7[%dma_start3A_136] : memref<512xi32, #tpu.memory_space<vmem>> -> memref<64xi32, #tpu.memory_space<vmem>>
    %dma_start3A_138 = arith.constant 0 : i32
    %dma_start3A_139 = arith.constant 0 : i32
    %dma_start3A_140 = tpu.memref_slice %arg2[%dma_start3A_138, %dma_start3A_139] : memref<2048x256xf32, #tpu.memory_space<hbm>> -> memref<2048x256xf32, #tpu.memory_space<hbm>>
    tpu.enqueue_indirect_dma source(%dma_start3A_140 : memref<2048x256xf32, #tpu.memory_space<hbm>>) target(%arg9 : memref<64x256xf32, #tpu.memory_space<vmem>>) offsets(%dma_start3A_137 : memref<64xi32, #tpu.memory_space<vmem>>) semaphore(%arg13 : memref<!tpu.dma_semaphore, #tpu.memory_space<semaphore_mem>>)
    %dma_wait3A_141 = arith.constant 192 : i32
    %dma_wait3A_142 = tpu.memref_slice %arg6[%dma_wait3A_141] : memref<512xi32, #tpu.memory_space<vmem>> -> memref<64xi32, #tpu.memory_space<vmem>>
    %dma_wait3A_143 = arith.constant 0 : i32
    %dma_wait3A_144 = arith.constant 0 : i32
    %dma_wait3A_145 = tpu.memref_slice %arg2[%dma_wait3A_143, %dma_wait3A_144] : memref<2048x256xf32, #tpu.memory_space<hbm>> -> memref<2048x256xf32, #tpu.memory_space<hbm>>
    tpu.wait_indirect_dma semaphore(%arg14 : memref<!tpu.dma_semaphore, #tpu.memory_space<semaphore_mem>>) src(%dma_wait3A_145 : memref<2048x256xf32, #tpu.memory_space<hbm>>) dst(%arg10 : memref<64x256xf32, #tpu.memory_space<vmem>>)
    %add3A_146 = arith.constant 192 : i32
    %add3A_147 = arith.addi %mul3A_2, %add3A_146 : i32
    %dma_start3A_148 = arith.constant 0 : i32
    %dma_start3A_149 = tpu.memref_slice %arg5[%add3A_147, %dma_start3A_148] : memref<16384x512xf32, #tpu.memory_space<hbm>> -> memref<64x256xf32, #tpu.memory_space<hbm>>
    %dma_start3A_150 = arith.constant 0 : i32
    %dma_start3A_151 = tpu.memref_slice %arg5[%add3A_147, %dma_start3A_150] : memref<16384x512xf32, #tpu.memory_space<hbm>> -> memref<64x256xf32, #tpu.memory_space<hbm>>
    tpu.enqueue_dma source(%arg10 : memref<64x256xf32, #tpu.memory_space<vmem>>) target(%dma_start3A_151 : memref<64x256xf32, #tpu.memory_space<hbm>>) target_semaphore(%arg18 : memref<!tpu.dma_semaphore, #tpu.memory_space<semaphore_mem>>)
    %dma_wait3A_152 = arith.constant 0 : i32
    %dma_wait3A_153 = tpu.memref_slice %arg5[%add3A_147, %dma_wait3A_152] : memref<16384x512xf32, #tpu.memory_space<hbm>> -> memref<64x256xf32, #tpu.memory_space<hbm>>
    %dma_wait3A_154 = arith.constant 0 : i32
    %dma_wait3A_155 = tpu.memref_slice %arg5[%add3A_147, %dma_wait3A_154] : memref<16384x512xf32, #tpu.memory_space<hbm>> -> memref<64x256xf32, #tpu.memory_space<hbm>>
    tpu.wait_dma2 semaphore(%arg18 : memref<!tpu.dma_semaphore, #tpu.memory_space<semaphore_mem>>) src(%arg10 : memref<64x256xf32, #tpu.memory_space<vmem>>) dst(%dma_wait3A_155 : memref<64x256xf32, #tpu.memory_space<hbm>>)
    %dma_start3A_156 = arith.constant 320 : i32
    %dma_start3A_157 = tpu.memref_slice %arg6[%dma_start3A_156] : memref<512xi32, #tpu.memory_space<vmem>> -> memref<64xi32, #tpu.memory_space<vmem>>
    %dma_start3A_158 = arith.constant 0 : i32
    %dma_start3A_159 = arith.constant 0 : i32
    %dma_start3A_160 = tpu.memref_slice %arg2[%dma_start3A_158, %dma_start3A_159] : memref<2048x256xf32, #tpu.memory_space<hbm>> -> memref<2048x256xf32, #tpu.memory_space<hbm>>
    tpu.enqueue_indirect_dma source(%dma_start3A_160 : memref<2048x256xf32, #tpu.memory_space<hbm>>) target(%arg10 : memref<64x256xf32, #tpu.memory_space<vmem>>) offsets(%dma_start3A_157 : memref<64xi32, #tpu.memory_space<vmem>>) semaphore(%arg14 : memref<!tpu.dma_semaphore, #tpu.memory_space<semaphore_mem>>)
    %dma_wait3A_161 = arith.constant 192 : i32
    %dma_wait3A_162 = tpu.memref_slice %arg7[%dma_wait3A_161] : memref<512xi32, #tpu.memory_space<vmem>> -> memref<64xi32, #tpu.memory_space<vmem>>
    %dma_wait3A_163 = arith.constant 0 : i32
    %dma_wait3A_164 = arith.constant 0 : i32
    %dma_wait3A_165 = tpu.memref_slice %arg2[%dma_wait3A_163, %dma_wait3A_164] : memref<2048x256xf32, #tpu.memory_space<hbm>> -> memref<2048x256xf32, #tpu.memory_space<hbm>>
    tpu.wait_indirect_dma semaphore(%arg15 : memref<!tpu.dma_semaphore, #tpu.memory_space<semaphore_mem>>) src(%dma_wait3A_165 : memref<2048x256xf32, #tpu.memory_space<hbm>>) dst(%arg11 : memref<64x256xf32, #tpu.memory_space<vmem>>)
    %add3A_166 = arith.constant 192 : i32
    %add3A_167 = arith.addi %mul3A_2, %add3A_166 : i32
    %dma_start3A_168 = arith.constant 256 : i32
    %dma_start3A_169 = tpu.memref_slice %arg5[%add3A_167, %dma_start3A_168] : memref<16384x512xf32, #tpu.memory_space<hbm>> -> memref<64x256xf32, #tpu.memory_space<hbm>>
    %dma_start3A_170 = arith.constant 256 : i32
    %dma_start3A_171 = tpu.memref_slice %arg5[%add3A_167, %dma_start3A_170] : memref<16384x512xf32, #tpu.memory_space<hbm>> -> memref<64x256xf32, #tpu.memory_space<hbm>>
    tpu.enqueue_dma source(%arg11 : memref<64x256xf32, #tpu.memory_space<vmem>>) target(%dma_start3A_171 : memref<64x256xf32, #tpu.memory_space<hbm>>) target_semaphore(%arg19 : memref<!tpu.dma_semaphore, #tpu.memory_space<semaphore_mem>>)
    %dma_wait3A_172 = arith.constant 256 : i32
    %dma_wait3A_173 = tpu.memref_slice %arg5[%add3A_167, %dma_wait3A_172] : memref<16384x512xf32, #tpu.memory_space<hbm>> -> memref<64x256xf32, #tpu.memory_space<hbm>>
    %dma_wait3A_174 = arith.constant 256 : i32
    %dma_wait3A_175 = tpu.memref_slice %arg5[%add3A_167, %dma_wait3A_174] : memref<16384x512xf32, #tpu.memory_space<hbm>> -> memref<64x256xf32, #tpu.memory_space<hbm>>
    tpu.wait_dma2 semaphore(%arg19 : memref<!tpu.dma_semaphore, #tpu.memory_space<semaphore_mem>>) src(%arg11 : memref<64x256xf32, #tpu.memory_space<vmem>>) dst(%dma_wait3A_175 : memref<64x256xf32, #tpu.memory_space<hbm>>)
    %dma_start3A_176 = arith.constant 320 : i32
    %dma_start3A_177 = tpu.memref_slice %arg7[%dma_start3A_176] : memref<512xi32, #tpu.memory_space<vmem>> -> memref<64xi32, #tpu.memory_space<vmem>>
    %dma_start3A_178 = arith.constant 0 : i32
    %dma_start3A_179 = arith.constant 0 : i32
    %dma_start3A_180 = tpu.memref_slice %arg2[%dma_start3A_178, %dma_start3A_179] : memref<2048x256xf32, #tpu.memory_space<hbm>> -> memref<2048x256xf32, #tpu.memory_space<hbm>>
    tpu.enqueue_indirect_dma source(%dma_start3A_180 : memref<2048x256xf32, #tpu.memory_space<hbm>>) target(%arg11 : memref<64x256xf32, #tpu.memory_space<vmem>>) offsets(%dma_start3A_177 : memref<64xi32, #tpu.memory_space<vmem>>) semaphore(%arg15 : memref<!tpu.dma_semaphore, #tpu.memory_space<semaphore_mem>>)
    %dma_wait3A_181 = arith.constant 256 : i32
    %dma_wait3A_182 = tpu.memref_slice %arg6[%dma_wait3A_181] : memref<512xi32, #tpu.memory_space<vmem>> -> memref<64xi32, #tpu.memory_space<vmem>>
    %dma_wait3A_183 = arith.constant 0 : i32
    %dma_wait3A_184 = arith.constant 0 : i32
    %dma_wait3A_185 = tpu.memref_slice %arg2[%dma_wait3A_183, %dma_wait3A_184] : memref<2048x256xf32, #tpu.memory_space<hbm>> -> memref<2048x256xf32, #tpu.memory_space<hbm>>
    tpu.wait_indirect_dma semaphore(%arg12 : memref<!tpu.dma_semaphore, #tpu.memory_space<semaphore_mem>>) src(%dma_wait3A_185 : memref<2048x256xf32, #tpu.memory_space<hbm>>) dst(%arg8 : memref<64x256xf32, #tpu.memory_space<vmem>>)
    %add3A_186 = arith.constant 256 : i32
    %add3A_187 = arith.addi %mul3A_2, %add3A_186 : i32
    %dma_start3A_188 = arith.constant 0 : i32
    %dma_start3A_189 = tpu.memref_slice %arg5[%add3A_187, %dma_start3A_188] : memref<16384x512xf32, #tpu.memory_space<hbm>> -> memref<64x256xf32, #tpu.memory_space<hbm>>
    %dma_start3A_190 = arith.constant 0 : i32
    %dma_start3A_191 = tpu.memref_slice %arg5[%add3A_187, %dma_start3A_190] : memref<16384x512xf32, #tpu.memory_space<hbm>> -> memref<64x256xf32, #tpu.memory_space<hbm>>
    tpu.enqueue_dma source(%arg8 : memref<64x256xf32, #tpu.memory_space<vmem>>) target(%dma_start3A_191 : memref<64x256xf32, #tpu.memory_space<hbm>>) target_semaphore(%arg16 : memref<!tpu.dma_semaphore, #tpu.memory_space<semaphore_mem>>)
    %dma_wait3A_192 = arith.constant 0 : i32
    %dma_wait3A_193 = tpu.memref_slice %arg5[%add3A_187, %dma_wait3A_192] : memref<16384x512xf32, #tpu.memory_space<hbm>> -> memref<64x256xf32, #tpu.memory_space<hbm>>
    %dma_wait3A_194 = arith.constant 0 : i32
    %dma_wait3A_195 = tpu.memref_slice %arg5[%add3A_187, %dma_wait3A_194] : memref<16384x512xf32, #tpu.memory_space<hbm>> -> memref<64x256xf32, #tpu.memory_space<hbm>>
    tpu.wait_dma2 semaphore(%arg16 : memref<!tpu.dma_semaphore, #tpu.memory_space<semaphore_mem>>) src(%arg8 : memref<64x256xf32, #tpu.memory_space<vmem>>) dst(%dma_wait3A_195 : memref<64x256xf32, #tpu.memory_space<hbm>>)
    %dma_start3A_196 = arith.constant 384 : i32
    %dma_start3A_197 = tpu.memref_slice %arg6[%dma_start3A_196] : memref<512xi32, #tpu.memory_space<vmem>> -> memref<64xi32, #tpu.memory_space<vmem>>
    %dma_start3A_198 = arith.constant 0 : i32
    %dma_start3A_199 = arith.constant 0 : i32
    %dma_start3A_200 = tpu.memref_slice %arg2[%dma_start3A_198, %dma_start3A_199] : memref<2048x256xf32, #tpu.memory_space<hbm>> -> memref<2048x256xf32, #tpu.memory_space<hbm>>
    tpu.enqueue_indirect_dma source(%dma_start3A_200 : memref<2048x256xf32, #tpu.memory_space<hbm>>) target(%arg8 : memref<64x256xf32, #tpu.memory_space<vmem>>) offsets(%dma_start3A_197 : memref<64xi32, #tpu.memory_space<vmem>>) semaphore(%arg12 : memref<!tpu.dma_semaphore, #tpu.memory_space<semaphore_mem>>)
    %dma_wait3A_201 = arith.constant 256 : i32
    %dma_wait3A_202 = tpu.memref_slice %arg7[%dma_wait3A_201] : memref<512xi32, #tpu.memory_space<vmem>> -> memref<64xi32, #tpu.memory_space<vmem>>
    %dma_wait3A_203 = arith.constant 0 : i32
    %dma_wait3A_204 = arith.constant 0 : i32
    %dma_wait3A_205 = tpu.memref_slice %arg2[%dma_wait3A_203, %dma_wait3A_204] : memref<2048x256xf32, #tpu.memory_space<hbm>> -> memref<2048x256xf32, #tpu.memory_space<hbm>>
    tpu.wait_indirect_dma semaphore(%arg13 : memref<!tpu.dma_semaphore, #tpu.memory_space<semaphore_mem>>) src(%dma_wait3A_205 : memref<2048x256xf32, #tpu.memory_space<hbm>>) dst(%arg9 : memref<64x256xf32, #tpu.memory_space<vmem>>)
    %add3A_206 = arith.constant 256 : i32
    %add3A_207 = arith.addi %mul3A_2, %add3A_206 : i32
    %dma_start3A_208 = arith.constant 256 : i32
    %dma_start3A_209 = tpu.memref_slice %arg5[%add3A_207, %dma_start3A_208] : memref<16384x512xf32, #tpu.memory_space<hbm>> -> memref<64x256xf32, #tpu.memory_space<hbm>>
    %dma_start3A_210 = arith.constant 256 : i32
    %dma_start3A_211 = tpu.memref_slice %arg5[%add3A_207, %dma_start3A_210] : memref<16384x512xf32, #tpu.memory_space<hbm>> -> memref<64x256xf32, #tpu.memory_space<hbm>>
    tpu.enqueue_dma source(%arg9 : memref<64x256xf32, #tpu.memory_space<vmem>>) target(%dma_start3A_211 : memref<64x256xf32, #tpu.memory_space<hbm>>) target_semaphore(%arg17 : memref<!tpu.dma_semaphore, #tpu.memory_space<semaphore_mem>>)
    %dma_wait3A_212 = arith.constant 256 : i32
    %dma_wait3A_213 = tpu.memref_slice %arg5[%add3A_207, %dma_wait3A_212] : memref<16384x512xf32, #tpu.memory_space<hbm>> -> memref<64x256xf32, #tpu.memory_space<hbm>>
    %dma_wait3A_214 = arith.constant 256 : i32
    %dma_wait3A_215 = tpu.memref_slice %arg5[%add3A_207, %dma_wait3A_214] : memref<16384x512xf32, #tpu.memory_space<hbm>> -> memref<64x256xf32, #tpu.memory_space<hbm>>
    tpu.wait_dma2 semaphore(%arg17 : memref<!tpu.dma_semaphore, #tpu.memory_space<semaphore_mem>>) src(%arg9 : memref<64x256xf32, #tpu.memory_space<vmem>>) dst(%dma_wait3A_215 : memref<64x256xf32, #tpu.memory_space<hbm>>)
    %dma_start3A_216 = arith.constant 384 : i32
    %dma_start3A_217 = tpu.memref_slice %arg7[%dma_start3A_216] : memref<512xi32, #tpu.memory_space<vmem>> -> memref<64xi32, #tpu.memory_space<vmem>>
    %dma_start3A_218 = arith.constant 0 : i32
    %dma_start3A_219 = arith.constant 0 : i32
    %dma_start3A_220 = tpu.memref_slice %arg2[%dma_start3A_218, %dma_start3A_219] : memref<2048x256xf32, #tpu.memory_space<hbm>> -> memref<2048x256xf32, #tpu.memory_space<hbm>>
    tpu.enqueue_indirect_dma source(%dma_start3A_220 : memref<2048x256xf32, #tpu.memory_space<hbm>>) target(%arg9 : memref<64x256xf32, #tpu.memory_space<vmem>>) offsets(%dma_start3A_217 : memref<64xi32, #tpu.memory_space<vmem>>) semaphore(%arg13 : memref<!tpu.dma_semaphore, #tpu.memory_space<semaphore_mem>>)
    %dma_wait3A_221 = arith.constant 320 : i32
    %dma_wait3A_222 = tpu.memref_slice %arg6[%dma_wait3A_221] : memref<512xi32, #tpu.memory_space<vmem>> -> memref<64xi32, #tpu.memory_space<vmem>>
    %dma_wait3A_223 = arith.constant 0 : i32
    %dma_wait3A_224 = arith.constant 0 : i32
    %dma_wait3A_225 = tpu.memref_slice %arg2[%dma_wait3A_223, %dma_wait3A_224] : memref<2048x256xf32, #tpu.memory_space<hbm>> -> memref<2048x256xf32, #tpu.memory_space<hbm>>
    tpu.wait_indirect_dma semaphore(%arg14 : memref<!tpu.dma_semaphore, #tpu.memory_space<semaphore_mem>>) src(%dma_wait3A_225 : memref<2048x256xf32, #tpu.memory_space<hbm>>) dst(%arg10 : memref<64x256xf32, #tpu.memory_space<vmem>>)
    %add3A_226 = arith.constant 320 : i32
    %add3A_227 = arith.addi %mul3A_2, %add3A_226 : i32
    %dma_start3A_228 = arith.constant 0 : i32
    %dma_start3A_229 = tpu.memref_slice %arg5[%add3A_227, %dma_start3A_228] : memref<16384x512xf32, #tpu.memory_space<hbm>> -> memref<64x256xf32, #tpu.memory_space<hbm>>
    %dma_start3A_230 = arith.constant 0 : i32
    %dma_start3A_231 = tpu.memref_slice %arg5[%add3A_227, %dma_start3A_230] : memref<16384x512xf32, #tpu.memory_space<hbm>> -> memref<64x256xf32, #tpu.memory_space<hbm>>
    tpu.enqueue_dma source(%arg10 : memref<64x256xf32, #tpu.memory_space<vmem>>) target(%dma_start3A_231 : memref<64x256xf32, #tpu.memory_space<hbm>>) target_semaphore(%arg18 : memref<!tpu.dma_semaphore, #tpu.memory_space<semaphore_mem>>)
    %dma_wait3A_232 = arith.constant 0 : i32
    %dma_wait3A_233 = tpu.memref_slice %arg5[%add3A_227, %dma_wait3A_232] : memref<16384x512xf32, #tpu.memory_space<hbm>> -> memref<64x256xf32, #tpu.memory_space<hbm>>
    %dma_wait3A_234 = arith.constant 0 : i32
    %dma_wait3A_235 = tpu.memref_slice %arg5[%add3A_227, %dma_wait3A_234] : memref<16384x512xf32, #tpu.memory_space<hbm>> -> memref<64x256xf32, #tpu.memory_space<hbm>>
    tpu.wait_dma2 semaphore(%arg18 : memref<!tpu.dma_semaphore, #tpu.memory_space<semaphore_mem>>) src(%arg10 : memref<64x256xf32, #tpu.memory_space<vmem>>) dst(%dma_wait3A_235 : memref<64x256xf32, #tpu.memory_space<hbm>>)
    %dma_start3A_236 = arith.constant 448 : i32
    %dma_start3A_237 = tpu.memref_slice %arg6[%dma_start3A_236] : memref<512xi32, #tpu.memory_space<vmem>> -> memref<64xi32, #tpu.memory_space<vmem>>
    %dma_start3A_238 = arith.constant 0 : i32
    %dma_start3A_239 = arith.constant 0 : i32
    %dma_start3A_240 = tpu.memref_slice %arg2[%dma_start3A_238, %dma_start3A_239] : memref<2048x256xf32, #tpu.memory_space<hbm>> -> memref<2048x256xf32, #tpu.memory_space<hbm>>
    tpu.enqueue_indirect_dma source(%dma_start3A_240 : memref<2048x256xf32, #tpu.memory_space<hbm>>) target(%arg10 : memref<64x256xf32, #tpu.memory_space<vmem>>) offsets(%dma_start3A_237 : memref<64xi32, #tpu.memory_space<vmem>>) semaphore(%arg14 : memref<!tpu.dma_semaphore, #tpu.memory_space<semaphore_mem>>)
    %dma_wait3A_241 = arith.constant 320 : i32
    %dma_wait3A_242 = tpu.memref_slice %arg7[%dma_wait3A_241] : memref<512xi32, #tpu.memory_space<vmem>> -> memref<64xi32, #tpu.memory_space<vmem>>
    %dma_wait3A_243 = arith.constant 0 : i32
    %dma_wait3A_244 = arith.constant 0 : i32
    %dma_wait3A_245 = tpu.memref_slice %arg2[%dma_wait3A_243, %dma_wait3A_244] : memref<2048x256xf32, #tpu.memory_space<hbm>> -> memref<2048x256xf32, #tpu.memory_space<hbm>>
    tpu.wait_indirect_dma semaphore(%arg15 : memref<!tpu.dma_semaphore, #tpu.memory_space<semaphore_mem>>) src(%dma_wait3A_245 : memref<2048x256xf32, #tpu.memory_space<hbm>>) dst(%arg11 : memref<64x256xf32, #tpu.memory_space<vmem>>)
    %add3A_246 = arith.constant 320 : i32
    %add3A_247 = arith.addi %mul3A_2, %add3A_246 : i32
    %dma_start3A_248 = arith.constant 256 : i32
    %dma_start3A_249 = tpu.memref_slice %arg5[%add3A_247, %dma_start3A_248] : memref<16384x512xf32, #tpu.memory_space<hbm>> -> memref<64x256xf32, #tpu.memory_space<hbm>>
    %dma_start3A_250 = arith.constant 256 : i32
    %dma_start3A_251 = tpu.memref_slice %arg5[%add3A_247, %dma_start3A_250] : memref<16384x512xf32, #tpu.memory_space<hbm>> -> memref<64x256xf32, #tpu.memory_space<hbm>>
    tpu.enqueue_dma source(%arg11 : memref<64x256xf32, #tpu.memory_space<vmem>>) target(%dma_start3A_251 : memref<64x256xf32, #tpu.memory_space<hbm>>) target_semaphore(%arg19 : memref<!tpu.dma_semaphore, #tpu.memory_space<semaphore_mem>>)
    %dma_wait3A_252 = arith.constant 256 : i32
    %dma_wait3A_253 = tpu.memref_slice %arg5[%add3A_247, %dma_wait3A_252] : memref<16384x512xf32, #tpu.memory_space<hbm>> -> memref<64x256xf32, #tpu.memory_space<hbm>>
    %dma_wait3A_254 = arith.constant 256 : i32
    %dma_wait3A_255 = tpu.memref_slice %arg5[%add3A_247, %dma_wait3A_254] : memref<16384x512xf32, #tpu.memory_space<hbm>> -> memref<64x256xf32, #tpu.memory_space<hbm>>
    tpu.wait_dma2 semaphore(%arg19 : memref<!tpu.dma_semaphore, #tpu.memory_space<semaphore_mem>>) src(%arg11 : memref<64x256xf32, #tpu.memory_space<vmem>>) dst(%dma_wait3A_255 : memref<64x256xf32, #tpu.memory_space<hbm>>)
    %dma_start3A_256 = arith.constant 448 : i32
    %dma_start3A_257 = tpu.memref_slice %arg7[%dma_start3A_256] : memref<512xi32, #tpu.memory_space<vmem>> -> memref<64xi32, #tpu.memory_space<vmem>>
    %dma_start3A_258 = arith.constant 0 : i32
    %dma_start3A_259 = arith.constant 0 : i32
    %dma_start3A_260 = tpu.memref_slice %arg2[%dma_start3A_258, %dma_start3A_259] : memref<2048x256xf32, #tpu.memory_space<hbm>> -> memref<2048x256xf32, #tpu.memory_space<hbm>>
    tpu.enqueue_indirect_dma source(%dma_start3A_260 : memref<2048x256xf32, #tpu.memory_space<hbm>>) target(%arg11 : memref<64x256xf32, #tpu.memory_space<vmem>>) offsets(%dma_start3A_257 : memref<64xi32, #tpu.memory_space<vmem>>) semaphore(%arg15 : memref<!tpu.dma_semaphore, #tpu.memory_space<semaphore_mem>>)
    %dma_wait3A_261 = arith.constant 384 : i32
    %dma_wait3A_262 = tpu.memref_slice %arg6[%dma_wait3A_261] : memref<512xi32, #tpu.memory_space<vmem>> -> memref<64xi32, #tpu.memory_space<vmem>>
    %dma_wait3A_263 = arith.constant 0 : i32
    %dma_wait3A_264 = arith.constant 0 : i32
    %dma_wait3A_265 = tpu.memref_slice %arg2[%dma_wait3A_263, %dma_wait3A_264] : memref<2048x256xf32, #tpu.memory_space<hbm>> -> memref<2048x256xf32, #tpu.memory_space<hbm>>
    tpu.wait_indirect_dma semaphore(%arg12 : memref<!tpu.dma_semaphore, #tpu.memory_space<semaphore_mem>>) src(%dma_wait3A_265 : memref<2048x256xf32, #tpu.memory_space<hbm>>) dst(%arg8 : memref<64x256xf32, #tpu.memory_space<vmem>>)
    %add3A_266 = arith.constant 384 : i32
    %add3A_267 = arith.addi %mul3A_2, %add3A_266 : i32
    %dma_start3A_268 = arith.constant 0 : i32
    %dma_start3A_269 = tpu.memref_slice %arg5[%add3A_267, %dma_start3A_268] : memref<16384x512xf32, #tpu.memory_space<hbm>> -> memref<64x256xf32, #tpu.memory_space<hbm>>
    %dma_start3A_270 = arith.constant 0 : i32
    %dma_start3A_271 = tpu.memref_slice %arg5[%add3A_267, %dma_start3A_270] : memref<16384x512xf32, #tpu.memory_space<hbm>> -> memref<64x256xf32, #tpu.memory_space<hbm>>
    tpu.enqueue_dma source(%arg8 : memref<64x256xf32, #tpu.memory_space<vmem>>) target(%dma_start3A_271 : memref<64x256xf32, #tpu.memory_space<hbm>>) target_semaphore(%arg16 : memref<!tpu.dma_semaphore, #tpu.memory_space<semaphore_mem>>)
    %dma_wait3A_272 = arith.constant 384 : i32
    %dma_wait3A_273 = tpu.memref_slice %arg7[%dma_wait3A_272] : memref<512xi32, #tpu.memory_space<vmem>> -> memref<64xi32, #tpu.memory_space<vmem>>
    %dma_wait3A_274 = arith.constant 0 : i32
    %dma_wait3A_275 = arith.constant 0 : i32
    %dma_wait3A_276 = tpu.memref_slice %arg2[%dma_wait3A_274, %dma_wait3A_275] : memref<2048x256xf32, #tpu.memory_space<hbm>> -> memref<2048x256xf32, #tpu.memory_space<hbm>>
    tpu.wait_indirect_dma semaphore(%arg13 : memref<!tpu.dma_semaphore, #tpu.memory_space<semaphore_mem>>) src(%dma_wait3A_276 : memref<2048x256xf32, #tpu.memory_space<hbm>>) dst(%arg9 : memref<64x256xf32, #tpu.memory_space<vmem>>)
    %add3A_277 = arith.constant 384 : i32
    %add3A_278 = arith.addi %mul3A_2, %add3A_277 : i32
    %dma_start3A_279 = arith.constant 256 : i32
    %dma_start3A_280 = tpu.memref_slice %arg5[%add3A_278, %dma_start3A_279] : memref<16384x512xf32, #tpu.memory_space<hbm>> -> memref<64x256xf32, #tpu.memory_space<hbm>>
    %dma_start3A_281 = arith.constant 256 : i32
    %dma_start3A_282 = tpu.memref_slice %arg5[%add3A_278, %dma_start3A_281] : memref<16384x512xf32, #tpu.memory_space<hbm>> -> memref<64x256xf32, #tpu.memory_space<hbm>>
    tpu.enqueue_dma source(%arg9 : memref<64x256xf32, #tpu.memory_space<vmem>>) target(%dma_start3A_282 : memref<64x256xf32, #tpu.memory_space<hbm>>) target_semaphore(%arg17 : memref<!tpu.dma_semaphore, #tpu.memory_space<semaphore_mem>>)
    %dma_wait3A_283 = arith.constant 448 : i32
    %dma_wait3A_284 = tpu.memref_slice %arg6[%dma_wait3A_283] : memref<512xi32, #tpu.memory_space<vmem>> -> memref<64xi32, #tpu.memory_space<vmem>>
    %dma_wait3A_285 = arith.constant 0 : i32
    %dma_wait3A_286 = arith.constant 0 : i32
    %dma_wait3A_287 = tpu.memref_slice %arg2[%dma_wait3A_285, %dma_wait3A_286] : memref<2048x256xf32, #tpu.memory_space<hbm>> -> memref<2048x256xf32, #tpu.memory_space<hbm>>
    tpu.wait_indirect_dma semaphore(%arg14 : memref<!tpu.dma_semaphore, #tpu.memory_space<semaphore_mem>>) src(%dma_wait3A_287 : memref<2048x256xf32, #tpu.memory_space<hbm>>) dst(%arg10 : memref<64x256xf32, #tpu.memory_space<vmem>>)
    %add3A_288 = arith.constant 448 : i32
    %add3A_289 = arith.addi %mul3A_2, %add3A_288 : i32
    %dma_start3A_290 = arith.constant 0 : i32
    %dma_start3A_291 = tpu.memref_slice %arg5[%add3A_289, %dma_start3A_290] : memref<16384x512xf32, #tpu.memory_space<hbm>> -> memref<64x256xf32, #tpu.memory_space<hbm>>
    %dma_start3A_292 = arith.constant 0 : i32
    %dma_start3A_293 = tpu.memref_slice %arg5[%add3A_289, %dma_start3A_292] : memref<16384x512xf32, #tpu.memory_space<hbm>> -> memref<64x256xf32, #tpu.memory_space<hbm>>
    tpu.enqueue_dma source(%arg10 : memref<64x256xf32, #tpu.memory_space<vmem>>) target(%dma_start3A_293 : memref<64x256xf32, #tpu.memory_space<hbm>>) target_semaphore(%arg18 : memref<!tpu.dma_semaphore, #tpu.memory_space<semaphore_mem>>)
    %dma_wait3A_294 = arith.constant 448 : i32
    %dma_wait3A_295 = tpu.memref_slice %arg7[%dma_wait3A_294] : memref<512xi32, #tpu.memory_space<vmem>> -> memref<64xi32, #tpu.memory_space<vmem>>
    %dma_wait3A_296 = arith.constant 0 : i32
    %dma_wait3A_297 = arith.constant 0 : i32
    %dma_wait3A_298 = tpu.memref_slice %arg2[%dma_wait3A_296, %dma_wait3A_297] : memref<2048x256xf32, #tpu.memory_space<hbm>> -> memref<2048x256xf32, #tpu.memory_space<hbm>>
    tpu.wait_indirect_dma semaphore(%arg15 : memref<!tpu.dma_semaphore, #tpu.memory_space<semaphore_mem>>) src(%dma_wait3A_298 : memref<2048x256xf32, #tpu.memory_space<hbm>>) dst(%arg11 : memref<64x256xf32, #tpu.memory_space<vmem>>)
    %add3A_299 = arith.constant 448 : i32
    %add3A_300 = arith.addi %mul3A_2, %add3A_299 : i32
    %dma_start3A_301 = arith.constant 256 : i32
    %dma_start3A_302 = tpu.memref_slice %arg5[%add3A_300, %dma_start3A_301] : memref<16384x512xf32, #tpu.memory_space<hbm>> -> memref<64x256xf32, #tpu.memory_space<hbm>>
    %dma_start3A_303 = arith.constant 256 : i32
    %dma_start3A_304 = tpu.memref_slice %arg5[%add3A_300, %dma_start3A_303] : memref<16384x512xf32, #tpu.memory_space<hbm>> -> memref<64x256xf32, #tpu.memory_space<hbm>>
    tpu.enqueue_dma source(%arg11 : memref<64x256xf32, #tpu.memory_space<vmem>>) target(%dma_start3A_304 : memref<64x256xf32, #tpu.memory_space<hbm>>) target_semaphore(%arg19 : memref<!tpu.dma_semaphore, #tpu.memory_space<semaphore_mem>>)
    %dma_wait3A_305 = arith.constant 0 : i32
    %dma_wait3A_306 = tpu.memref_slice %arg5[%add3A_267, %dma_wait3A_305] : memref<16384x512xf32, #tpu.memory_space<hbm>> -> memref<64x256xf32, #tpu.memory_space<hbm>>
    %dma_wait3A_307 = arith.constant 0 : i32
    %dma_wait3A_308 = tpu.memref_slice %arg5[%add3A_267, %dma_wait3A_307] : memref<16384x512xf32, #tpu.memory_space<hbm>> -> memref<64x256xf32, #tpu.memory_space<hbm>>
    tpu.wait_dma2 semaphore(%arg16 : memref<!tpu.dma_semaphore, #tpu.memory_space<semaphore_mem>>) src(%arg8 : memref<64x256xf32, #tpu.memory_space<vmem>>) dst(%dma_wait3A_308 : memref<64x256xf32, #tpu.memory_space<hbm>>)
    %dma_wait3A_309 = arith.constant 256 : i32
    %dma_wait3A_310 = tpu.memref_slice %arg5[%add3A_278, %dma_wait3A_309] : memref<16384x512xf32, #tpu.memory_space<hbm>> -> memref<64x256xf32, #tpu.memory_space<hbm>>
    %dma_wait3A_311 = arith.constant 256 : i32
    %dma_wait3A_312 = tpu.memref_slice %arg5[%add3A_278, %dma_wait3A_311] : memref<16384x512xf32, #tpu.memory_space<hbm>> -> memref<64x256xf32, #tpu.memory_space<hbm>>
    tpu.wait_dma2 semaphore(%arg17 : memref<!tpu.dma_semaphore, #tpu.memory_space<semaphore_mem>>) src(%arg9 : memref<64x256xf32, #tpu.memory_space<vmem>>) dst(%dma_wait3A_312 : memref<64x256xf32, #tpu.memory_space<hbm>>)
    %dma_wait3A_313 = arith.constant 0 : i32
    %dma_wait3A_314 = tpu.memref_slice %arg5[%add3A_289, %dma_wait3A_313] : memref<16384x512xf32, #tpu.memory_space<hbm>> -> memref<64x256xf32, #tpu.memory_space<hbm>>
    %dma_wait3A_315 = arith.constant 0 : i32
    %dma_wait3A_316 = tpu.memref_slice %arg5[%add3A_289, %dma_wait3A_315] : memref<16384x512xf32, #tpu.memory_space<hbm>> -> memref<64x256xf32, #tpu.memory_space<hbm>>
    tpu.wait_dma2 semaphore(%arg18 : memref<!tpu.dma_semaphore, #tpu.memory_space<semaphore_mem>>) src(%arg10 : memref<64x256xf32, #tpu.memory_space<vmem>>) dst(%dma_wait3A_316 : memref<64x256xf32, #tpu.memory_space<hbm>>)
    %dma_wait3A_317 = arith.constant 256 : i32
    %dma_wait3A_318 = tpu.memref_slice %arg5[%add3A_300, %dma_wait3A_317] : memref<16384x512xf32, #tpu.memory_space<hbm>> -> memref<64x256xf32, #tpu.memory_space<hbm>>
    %dma_wait3A_319 = arith.constant 256 : i32
    %dma_wait3A_320 = tpu.memref_slice %arg5[%add3A_300, %dma_wait3A_319] : memref<16384x512xf32, #tpu.memory_space<hbm>> -> memref<64x256xf32, #tpu.memory_space<hbm>>
    tpu.wait_dma2 semaphore(%arg19 : memref<!tpu.dma_semaphore, #tpu.memory_space<semaphore_mem>>) src(%arg11 : memref<64x256xf32, #tpu.memory_space<vmem>>) dst(%dma_wait3A_320 : memref<64x256xf32, #tpu.memory_space<hbm>>)
    return
  }
}

module attributes {stable_mosaic.version = 14 : i64} {
  func.func @body(%arg0: i32, %arg1: memref<512x2048xf32, #tpu.memory_space<vmem>>, %arg2: memref<2048x2048xf32, #tpu.memory_space<vmem>>, %arg3: memref<1x2048xf32, #tpu.memory_space<vmem>>, %arg4: memref<512xi32, #tpu.memory_space<vmem>>, %arg5: memref<512xi32, #tpu.memory_space<vmem>>, %arg6: memref<2x1024xf32, #tpu.memory_space<vmem>>, %arg7: memref<2x512x2048xf32, #tpu.memory_space<vmem>>) attributes {dimension_semantics = [#tpu.dimension_semantics<arbitrary>], iteration_bounds = array<i64: 33>, scalar_prefetch = 0 : i64, scratch_operands = 1 : i64, tpu.core_type = #tpu.core_type<tc>, window_params = [{transform_indices = @transform_0, window_bounds = array<i64: 512, 2048>}, {pipeline_mode = #tpu.pipeline_mode<synchronous>, transform_indices = @transform_1, window_bounds = array<i64: 2048, 2048>}, {pipeline_mode = #tpu.pipeline_mode<synchronous>, transform_indices = @transform_2, window_bounds = array<i64: 1, 2048>}, {transform_indices = @transform_3, window_bounds = array<i64: 512>}, {transform_indices = @transform_4, window_bounds = array<i64: 512>}, {pipeline_mode = #tpu.pipeline_mode<synchronous>, transform_indices = @transform_5, window_bounds = array<i64: 2, 1024>}]} {
    %rem3A = arith.constant 2 : i32
    %rem3A_0 = arith.remsi %arg0, %rem3A : i32
    %sub3A = arith.constant 1 : i32
    %sub3A_1 = arith.subi %sub3A, %rem3A_0 : i32
    %get3A = arith.index_cast %sub3A_1 : i32 to index
    %get3A_2 = arith.constant 0 : index
    %get3A_3 = arith.constant 0 : index
    %get3A_4 = vector.load %arg7[%get3A, %get3A_2, %get3A_3] : memref<2x512x2048xf32, #tpu.memory_space<vmem>>, vector<1x512x2048xf32>
    %get3A_5 = vector.shape_cast %get3A_4 : vector<1x512x2048xf32> to vector<512x2048xf32>
    %eq3A = arith.constant 1 : i32
    %eq3A_6 = arith.cmpi eq, %arg0, %eq3A : i32
    %convert_element_type3A = arith.extui %eq3A_6 : i1 to i32
    %cond3A = arith.constant 0 : i32
    %cond3A_7 = arith.cmpi ne, %convert_element_type3A, %cond3A : i32
    scf.if %cond3A_7 {
      %broadcast_in_dim3A_73 = arith.constant 0.000000e+00 : f32
      %broadcast_in_dim3A_74 = vector.broadcast %broadcast_in_dim3A_73 : f32 to vector<2x1024xf32>
      %swap3A_75 = arith.constant 0 : index
      %swap3A_76 = arith.constant 0 : index
      %swap3A_77 = vector.load %arg6[%swap3A_75, %swap3A_76] : memref<2x1024xf32, #tpu.memory_space<vmem>>, vector<2x1024xf32>
      tpu.vector_store %arg6[%swap3A_75, %swap3A_76], %broadcast_in_dim3A_74 {strides = array<i32>} : memref<2x1024xf32, #tpu.memory_space<vmem>>, vector<2x1024xf32>,
    } else {
    }
    %iota3A = tpu.iota {dimensions = array<i32: 1>} : vector<512x1024xi32>
    %slice3A = vector.extract_strided_slice %get3A_5 {offsets = [0, 0], sizes = [512, 1024], strides = [1, 1]} : vector<512x2048xf32> to vector<512x1024xf32>
    %argmax3A = tpu.reduce_index %slice3A {axis = 1 : i32, kind = #tpu.reduction_kind<arg_max>} : vector<512x1024xf32> -> vector<512xi32>
    %add3A = arith.constant 0 : i32
    %add3A_8 = vector.broadcast %add3A : i32 to vector<512xi32>
    %add3A_9 = arith.addi %argmax3A, %add3A_8 : vector<512xi32>
    %swap3A = arith.constant 0 : index
    %swap3A_10 = vector.load %arg4[%swap3A] : memref<512xi32, #tpu.memory_space<vmem>>, vector<512xi32>
    tpu.vector_store %arg4[%swap3A], %add3A_9 {strides = array<i32>} : memref<512xi32, #tpu.memory_space<vmem>>, vector<512xi32>,
    %broadcast_in_dim3A = vector.shape_cast %argmax3A : vector<512xi32> to vector<512x1xi32>
    %eq3A_11 = vector.broadcast %broadcast_in_dim3A : vector<512x1xi32> to vector<512x1024xi32>
    %eq3A_12 = arith.cmpi eq, %iota3A, %eq3A_11 : vector<512x1024xi32>
    %convert_element_type3A_13 = arith.extui %eq3A_12 : vector<512x1024xi1> to vector<512x1024xi32>
    %convert_element_type3A_14 = arith.sitofp %convert_element_type3A_13 : vector<512x1024xi32> to vector<512x1024xf32>
    %get3A_15 = arith.constant 0 : index
    %get3A_16 = arith.constant 0 : index
    %get3A_17 = vector.load %arg6[%get3A_15, %get3A_16] : memref<2x1024xf32, #tpu.memory_space<vmem>>, vector<1x1024xf32>
    %get3A_18 = vector.shape_cast %get3A_17 : vector<1x1024xf32> to vector<1024xf32>
    %reduce_sum3A = arith.constant dense<0.000000e+00> : vector<1024xf32>
    %reduce_sum3A_19 = vector.multi_reduction <add>, %convert_element_type3A_14, %reduce_sum3A [0] : vector<512x1024xf32> to vector<1024xf32>
    %add3A_20 = arith.addf %get3A_18, %reduce_sum3A_19 : vector<1024xf32>
    %swap3A_21 = arith.constant 0 : index
    %swap3A_22 = arith.constant 0 : index
    %swap3A_23 = vector.load %arg6[%swap3A_21, %swap3A_22] : memref<2x1024xf32, #tpu.memory_space<vmem>>, vector<1x1024xf32>
    %swap3A_24 = vector.shape_cast %swap3A_23 : vector<1x1024xf32> to vector<1024xf32>
    %swap3A_25 = vector.shape_cast %add3A_20 : vector<1024xf32> to vector<1x1024xf32>
    tpu.vector_store %arg6[%swap3A_21, %swap3A_22], %swap3A_25 {strides = array<i32>} : memref<2x1024xf32, #tpu.memory_space<vmem>>, vector<1x1024xf32>,
    %slice3A_26 = vector.extract_strided_slice %get3A_5 {offsets = [0, 1024], sizes = [512, 1024], strides = [1, 1]} : vector<512x2048xf32> to vector<512x1024xf32>
    %argmax3A_27 = tpu.reduce_index %slice3A_26 {axis = 1 : i32, kind = #tpu.reduction_kind<arg_max>} : vector<512x1024xf32> -> vector<512xi32>
    %add3A_28 = arith.constant 1024 : i32
    %add3A_29 = vector.broadcast %add3A_28 : i32 to vector<512xi32>
    %add3A_30 = arith.addi %argmax3A_27, %add3A_29 : vector<512xi32>
    %swap3A_31 = arith.constant 0 : index
    %swap3A_32 = vector.load %arg5[%swap3A_31] : memref<512xi32, #tpu.memory_space<vmem>>, vector<512xi32>
    tpu.vector_store %arg5[%swap3A_31], %add3A_30 {strides = array<i32>} : memref<512xi32, #tpu.memory_space<vmem>>, vector<512xi32>,
    %broadcast_in_dim3A_33 = vector.shape_cast %argmax3A_27 : vector<512xi32> to vector<512x1xi32>
    %eq3A_34 = vector.broadcast %broadcast_in_dim3A_33 : vector<512x1xi32> to vector<512x1024xi32>
    %eq3A_35 = arith.cmpi eq, %iota3A, %eq3A_34 : vector<512x1024xi32>
    %convert_element_type3A_36 = arith.extui %eq3A_35 : vector<512x1024xi1> to vector<512x1024xi32>
    %convert_element_type3A_37 = arith.sitofp %convert_element_type3A_36 : vector<512x1024xi32> to vector<512x1024xf32>
    %get3A_38 = arith.constant 1 : index
    %get3A_39 = arith.constant 0 : index
    %get3A_40 = vector.load %arg6[%get3A_38, %get3A_39] : memref<2x1024xf32, #tpu.memory_space<vmem>>, vector<1x1024xf32>
    %get3A_41 = vector.shape_cast %get3A_40 : vector<1x1024xf32> to vector<1024xf32>
    %reduce_sum3A_42 = arith.constant dense<0.000000e+00> : vector<1024xf32>
    %reduce_sum3A_43 = vector.multi_reduction <add>, %convert_element_type3A_37, %reduce_sum3A_42 [0] : vector<512x1024xf32> to vector<1024xf32>
    %add3A_44 = arith.addf %get3A_41, %reduce_sum3A_43 : vector<1024xf32>
    %swap3A_45 = arith.constant 1 : index
    %swap3A_46 = arith.constant 0 : index
    %swap3A_47 = vector.load %arg6[%swap3A_45, %swap3A_46] : memref<2x1024xf32, #tpu.memory_space<vmem>>, vector<1x1024xf32>
    %swap3A_48 = vector.shape_cast %swap3A_47 : vector<1x1024xf32> to vector<1024xf32>
    %swap3A_49 = vector.shape_cast %add3A_44 : vector<1024xf32> to vector<1x1024xf32>
    tpu.vector_store %arg6[%swap3A_45, %swap3A_46], %swap3A_49 {strides = array<i32>} : memref<2x1024xf32, #tpu.memory_space<vmem>>, vector<1x1024xf32>,
    %get3A_50 = arith.constant 0 : index
    %get3A_51 = arith.constant 0 : index
    %get3A_52 = vector.load %arg1[%get3A_50, %get3A_51] : memref<512x2048xf32, #tpu.memory_space<vmem>>, vector<512x2048xf32>
    %get3A_53 = arith.constant 0 : index
    %get3A_54 = arith.constant 0 : index
    %get3A_55 = vector.load %arg2[%get3A_53, %get3A_54] : memref<2048x2048xf32, #tpu.memory_space<vmem>>, vector<2048x2048xf32>
    %dot_general3A = arith.constant dense<0.000000e+00> : vector<512x2048xf32>
    %dot_general3A_56 = tpu.matmul %get3A_52, %get3A_55, %dot_general3A {dimension_numbers = #tpu.dot_dimension_numbers<[1], [0], [0], [1], [0, 0, 1, 1], [], []>, transpose_lhs_hint = false} : vector<512x2048xf32>, vector<2048x2048xf32>, vector<512x2048xf32> -> vector<512x2048xf32>
    %get3A_57 = arith.constant 0 : index
    %get3A_58 = arith.constant 0 : index
    %get3A_59 = vector.load %arg3[%get3A_57, %get3A_58] : memref<1x2048xf32, #tpu.memory_space<vmem>>, vector<1x2048xf32>
    %add3A_60 = vector.broadcast %get3A_59 : vector<1x2048xf32> to vector<512x2048xf32>
    %add3A_61 = arith.addf %dot_general3A_56, %add3A_60 : vector<512x2048xf32>
    %swap3A_62 = arith.index_cast %rem3A_0 : i32 to index
    %swap3A_63 = arith.constant 0 : index
    %swap3A_64 = arith.constant 0 : index
    %swap3A_65 = vector.load %arg7[%swap3A_62, %swap3A_63, %swap3A_64] : memref<2x512x2048xf32, #tpu.memory_space<vmem>>, vector<1x512x2048xf32>
    %swap3A_66 = vector.shape_cast %swap3A_65 : vector<1x512x2048xf32> to vector<512x2048xf32>
    %swap3A_67 = vector.shape_cast %add3A_61 : vector<512x2048xf32> to vector<1x512x2048xf32>
    tpu.vector_store %arg7[%swap3A_62, %swap3A_63, %swap3A_64], %swap3A_67 {strides = array<i32>} : memref<2x512x2048xf32, #tpu.memory_space<vmem>>, vector<1x512x2048xf32>,
    %eq3A_68 = arith.constant 32 : i32
    %eq3A_69 = arith.cmpi eq, %arg0, %eq3A_68 : i32
    %convert_element_type3A_70 = arith.extui %eq3A_69 : i1 to i32
    %cond3A_71 = arith.constant 0 : i32
    %cond3A_72 = arith.cmpi ne, %convert_element_type3A_70, %cond3A_71 : i32
    scf.if %cond3A_72 {
      %get3A_73 = arith.constant 0 : index
      %get3A_74 = arith.constant 0 : index
      %get3A_75 = vector.load %arg6[%get3A_73, %get3A_74] : memref<2x1024xf32, #tpu.memory_space<vmem>>, vector<2x1024xf32>
      %mul3A = arith.constant 6.10351563E-5 : f32
      %mul3A_76 = vector.broadcast %mul3A : f32 to vector<2x1024xf32>
      %mul3A_77 = arith.mulf %get3A_75, %mul3A_76 : vector<2x1024xf32>
      %swap3A_78 = arith.constant 0 : index
      %swap3A_79 = arith.constant 0 : index
      %swap3A_80 = vector.load %arg6[%swap3A_78, %swap3A_79] : memref<2x1024xf32, #tpu.memory_space<vmem>>, vector<2x1024xf32>
      tpu.vector_store %arg6[%swap3A_78, %swap3A_79], %mul3A_77 {strides = array<i32>} : memref<2x1024xf32, #tpu.memory_space<vmem>>, vector<2x1024xf32>,
    } else {
    }
    return
  }
  func.func @transform_0(%arg0: i32) -> (i32, i32) {
    %min3A = arith.constant 31 : i32
    %min3A_0 = arith.minsi %arg0, %min3A : i32
    %c0_i32 = arith.constant 0 : i32
    %c0_i32_1 = arith.constant 0 : i32
    return %min3A_0, %c0_i32 : i32, i32
  }
  func.func @transform_1(%arg0: i32) -> (i32, i32) {
    %c0_i32 = arith.constant 0 : i32
    %c0_i32_0 = arith.constant 0 : i32
    %c0_i32_1 = arith.constant 0 : i32
    return %c0_i32, %c0_i32_0 : i32, i32
  }
  func.func @transform_2(%arg0: i32) -> (i32, i32) {
    %c0_i32 = arith.constant 0 : i32
    %c0_i32_0 = arith.constant 0 : i32
    %c0_i32_1 = arith.constant 0 : i32
    return %c0_i32, %c0_i32_0 : i32, i32
  }
  func.func @transform_3(%arg0: i32) -> i32 {
    %sub3A = arith.constant 1 : i32
    %sub3A_0 = arith.subi %arg0, %sub3A : i32
    %max3A = arith.constant 0 : i32
    %max3A_1 = arith.maxsi %sub3A_0, %max3A : i32
    %c0_i32 = arith.constant 0 : i32
    return %max3A_1 : i32
  }
  func.func @transform_4(%arg0: i32) -> i32 {
    %sub3A = arith.constant 1 : i32
    %sub3A_0 = arith.subi %arg0, %sub3A : i32
    %max3A = arith.constant 0 : i32
    %max3A_1 = arith.maxsi %sub3A_0, %max3A : i32
    %c0_i32 = arith.constant 0 : i32
    return %max3A_1 : i32
  }
  func.func @transform_5(%arg0: i32) -> (i32, i32) {
    %c0_i32 = arith.constant 0 : i32
    %c0_i32_0 = arith.constant 0 : i32
    %c0_i32_1 = arith.constant 0 : i32
    return %c0_i32, %c0_i32_0 : i32, i32
  }
}

</mosaic_0001>

<sc_bundles>
// kernel: kernel.4.cloned.1.call-start
scs
__scs_entry_jumppad:
0x0: {  	(pc) =	sbr.rel $0x88, $3  }
0x1: {  	(tag) =	ssettag $0x0;
	lr =	simm.s32 $0x1  }
0x2: {  	[smem:$0x3F9D] =	sst lr;
	_ =	strace $0xD0000000  }
0x3: {  	_ = 	snop  }
0x4: {  	_ = 	snop  }
0x5: {  	_ = 	snop  }
0x6: {  	_ = 	snop  }
0x7: {  	_ = 	snop  }
__scs_overlays_trampoline_lowered:
0x8: {  	[smem:$0x3FAC] =	sst s0  }
0x9: {  	[smem:$0x3FAD] =	sst s1  }
0xa: {  	[smem:$0x3FAE] =	sst s2  }
0xb: {  	[smem:$0x3FAF] =	sst s3  }
0xc: {  	[smem:$0x3FB0] =	sst s4  }
0xd: {  	[smem:$0x3FB1] =	sst s5  }
0xe: {  	[smem:$0x3FB2] =	sst s6  }
0xf: {  	[smem:$0x3FB3] =	sst s7  }
0x10: {  	[smem:$0x3FB4] =	sst s8  }
0x11: {  	[smem:$0x3FB5] =	sst s9;
	s0 =	simm.s32 @!p0 $0x0  }
0x12: {  	s1 =	sld [smem:$0x3F9B];
	s0 =	simm.s32 @p0 $0x1  }
0x13: {  	[smem:$0x3FB6] =	sst s0;
	s0 =	simm.s32 @!p1 $0x0  }
0x14: {  	s2 =	sld [smem:$0x3F9A];
	s0 =	simm.s32 @p1 $0x1  }
0x15: {  	[smem:$0x3FB7] =	sst s0;
	s0 =	simm.s32 @!p2 $0x0  }
0x16: {  	s3 =	sld [smem:$0x3FDB];
	s0 =	simm.s32 @p2 $0x1  }
0x17: {  	s4 =	simm.s32 $0x1BF5;
	[smem:$0x3FB9] =	sst s0  }
0x18: {  	s0 =	sld [smem:$0x3F9C];
	_ =	swait.ge [sflag:s4], $0x0  }
0x19: {  	s7 =	sld [smem:$0x3F9D]  }
0x1a: {  	s8 =	sadd.s32 $0xFFFFE003, lr  }
0x1b: {  	s9 =	sadd.s32 $0xFFFFFEF7, lr;
	s5 =	simm.s32 $0xFFFFFFFF;
	p2 =	slt.u32 s8, $0xFFFFF086  }
0x1c: {  	p1 =	slt.u32 s9, $0xF7A;
	s5 =	simm.s32 @!p2 $0x0  }
0x1d: {  	s5 =	simm.s32 @p1 $0x1;
	p0 =	seq.s32 s7, s2  }
0x1e: {  	s7 =	smul.u32 @!p0 $0xF7A, s2;
	p2 =	seq.s32 @!p0 s5, $0x0  }
0x1f: {  	s9 =	smul.u32 $0xF7A, s1;
	s8 =	simm.s32 @!p0 $0x1BF5;
	p2 =	por !p2, p0  }
0x20: {  	[sflag:s8] =	ssyncset.s32 @!p0 $0xFFFFF086;
	s6 =	sadd.s32 @!p0 s3, s7;
	s7 =	simm.s32 @!p0 $0x108  }
0x21: {  	s3 =	sadd.s32 s3, s9;
	s6 =	sadd.s32 @!p0 $0x88, s6;
	s7 =	simm.s32 @p2 $0x1082  }
0x22: {  	[simem:s7], [sflag:s8] =	dma.local @!p0 [hbm:s6], $0xF7A  }
0x23: {  	s9 =	sor.u32 $0xD0000000, s2;
	s6 =	simm.s32 $0x108;
	_ =	swait.ge @!p0 [sflag:s8], $0x0  }
0x24: {  	s3 =	sadd.s32 $0x88, s3;
	s6 =	simm.s32 @!p1 $0x1082;
	[sflag:s4] =	ssyncset.s32 $0xFFFFF086  }
0x25: {  	[simem:s6], [sflag:s4] =	dma.local [hbm:s3], $0xF7A  }
0x26: {  	[smem:$0x3F9D] =	sst s1;
	(tag) =	ssettag s2;
	_ =	strace s9  }
0x27: {  	s1 =	sld [smem:$0x3FAD]  }
0x28: {  	s2 =	sld [smem:$0x3FAE]  }
0x29: {  	s4 =	sld [smem:$0x3FB0]  }
0x2a: {  	p0 =	seq.s32 s5, $0x0;
	s5 =	sld [smem:$0x3FB1]  }
0x2b: {  	s6 =	sld [smem:$0x3FB2]  }
0x2c: {  	s7 =	sld [smem:$0x3FB3]  }
0x2d: {  	s3 =	simm.s32 $0x108;
	s8 =	sld [smem:$0x3FB4]  }
0x2e: {  	s3 =	simm.s32 @!p0 $0x1082;
	s9 =	sld [smem:$0x3FB5]  }
0x2f: {  	lr =	sadd.s32 s0, s3;
	s0 =	sld [smem:$0x3FAC]  }
0x30: {  	s3 =	sld [smem:$0x3FAF]  }
0x31: {  	[smem:$0x3FB8] =	sst s10  }
0x32: {  	s10 =	sld [smem:$0x3FB6];
	_ =	sdelay $0x3  }
0x33: {  	p0 =	seq.s32 s10, $0x1;
	s10 =	sld [smem:$0x3FB8];
	_ =	sdelay $0x3  }
0x34: {  	[smem:$0x3FB8] =	sst s10  }
0x35: {  	s10 =	sld [smem:$0x3FB7];
	_ =	sdelay $0x3  }
0x36: {  	p1 =	seq.s32 s10, $0x1;
	s10 =	sld [smem:$0x3FB8];
	_ =	sdelay $0x3  }
0x37: {  	[smem:$0x3FB8] =	sst s10  }
0x38: {  	s10 =	sld [smem:$0x3FB9]  }
0x39: {  	_ = 	snop;
	(pc) =	sbr.ind lr, $3  }
0x3a: {  	_ = 	snop  }
0x3b: {  	_ = 	snop  }
0x3c: {  	p2 =	seq.s32 s10, $0x1;
	s10 =	sld [smem:$0x3FB8]  }
0x3d: {  	_ =	shalt  }
0x3e: {  	_ =	shalt  }
0x3f: {  	_ =	shalt  }
0x40: {  	_ =	shalt  }
0x41: {  	_ =	shalt  }
0x42: {  	_ =	shalt  }
0x43: {  	_ =	shalt  }
0x44: {  	_ =	shalt  }
0x45: {  	_ =	shalt  }
0x46: {  	_ =	shalt  }
0x47: {  	_ =	shalt  }
0x48: {  	_ =	shalt  }
0x49: {  	_ =	shalt  }
0x4a: {  	_ =	shalt  }
0x4b: {  	_ =	shalt  }
0x4c: {  	_ =	shalt  }
0x4d: {  	_ =	shalt  }
0x4e: {  	_ =	shalt  }
0x4f: {  	_ =	shalt  }
0x50: {  	_ =	shalt  }
0x51: {  	_ =	shalt  }
0x52: {  	_ =	shalt  }
0x53: {  	_ =	shalt  }
0x54: {  	_ =	shalt  }
0x55: {  	_ =	shalt  }
0x56: {  	_ =	shalt  }
0x57: {  	_ =	shalt  }
0x58: {  	_ =	shalt  }
0x59: {  	_ =	shalt  }
0x5a: {  	_ =	shalt  }
0x5b: {  	_ =	shalt  }
0x5c: {  	_ =	shalt  }
0x5d: {  	_ =	shalt  }
0x5e: {  	_ =	shalt  }
0x5f: {  	_ =	shalt  }
0x60: {  	_ =	shalt  }
0x61: {  	_ =	shalt  }
0x62: {  	_ =	shalt  }
0x63: {  	_ =	shalt  }
0x64: {  	_ =	shalt  }
0x65: {  	_ =	shalt  }
0x66: {  	_ =	shalt  }
0x67: {  	_ =	shalt  }
0x68: {  	_ =	shalt  }
0x69: {  	_ =	shalt  }
0x6a: {  	_ =	shalt  }
0x6b: {  	_ =	shalt  }
0x6c: {  	_ =	shalt  }
0x6d: {  	_ =	shalt  }
0x6e: {  	_ =	shalt  }
0x6f: {  	_ =	shalt  }
0x70: {  	_ =	shalt  }
0x71: {  	_ =	shalt  }
0x72: {  	_ =	shalt  }
0x73: {  	_ =	shalt  }
0x74: {  	_ =	shalt  }
0x75: {  	_ =	shalt  }
0x76: {  	_ =	shalt  }
0x77: {  	_ =	shalt  }
0x78: {  	_ =	shalt  }
0x79: {  	_ =	shalt  }
0x7a: {  	_ =	shalt  }
0x7b: {  	_ =	shalt  }
0x7c: {  	_ =	shalt  }
0x7d: {  	_ =	shalt  }
0x7e: {  	_ =	shalt  }
0x7f: {  	_ =	shalt  }
0x80: {  	_ =	shalt  }
0x81: {  	_ =	shalt  }
0x82: {  	_ =	shalt  }
0x83: {  	_ =	shalt  }
0x84: {  	_ =	shalt  }
0x85: {  	_ =	shalt  }
0x86: {  	_ =	shalt  }
0x87: {  	_ =	shalt  }
.Lfunc_end0:
.L_simem_size_0:
called_computation_lowered:
.L_overlay_start_0:
0x88: {  	s2 =	sld [smem:$0x3FD9]  }
0x89: {  	s3 =	sld [smem:$0x3FFE];
	_ =	sdelay $0x1  }
0x8a: {  	s1 =	srdreg.scid  }
0x8b: {  	s0 =	sand.u32 $0x1, s1  }
0x8c: {  	s14 =	sshll.u32 s0, $0xA;
	s2 =	sadd.s32 s3, s2  }
0x8d: {  	s2 =	sadd.s32 s2, s14  }
0x8e: {  	[smem:$0x3FC4] =	sst s2  }
0x8f: {  	_ = 	snop  }
0x90: {  	s2 =	sld [smem:$0x3FD0];
	_ =	sdelay $0x2  }
0x91: {  	s4 =	simm.s32 $0xA;
	s5 =	simm.s32 $0x10;
	s15 =	sld [smem:$0x3FC6]  }
0x92: {  	[smem:s5], [sflag:s4] =	dma.local [hbm:s2], $0x1  }
0x93: {  	_ =	swait.eq [sflag:s4], $0x1  }
0x94: {  	[sflag:s4] =	ssyncset.done $0x0  }
0x95: {  	[sflag:s4] =	ssyncadd.s32 $0xFFFFFFFF  }
0x96: {  	s16 =	sld [smem:$0x10];
	(tm) =	ssettm $0x1  }
0x97: {  	s17 =	sld [smem:$0x3FFB];
	_ =	sdelay $0x3  }
0x98: {  	_ =	strace s17  }
0x99: {  	s4 =	sld [smem:$0x3FFC];
	_ =	sdelay $0x3  }
0x9a: {  	_ =	strace s4  }
0x9b: {  	s4 =	sld [smem:$0x3FFD];
	_ =	sdelay $0x3  }
0x9c: {  	_ =	strace s4  }
0x9d: {  	_ =	strace $0x8FFFFFFF  }
0x9e: {  	s18 =	sld [smem:$0x3FDB];
	_ =	sdelay $0x1  }
0x9f: {  	s19 =	simm.s32 $_scs_section_size  }
0xa0: {  	s6 =	simm.s32 $_size__tile_overlayer_lowered;
	s7 =	simm.s32 $_tile_overlayer_lowered  }
0xa1: {  	s22 =	simm.s32 $0x1BFF;
	s21 =	sshll.u32 s7, $0x1;
	s4 =	sadd.s32 s19, s18  }
0xa2: {  	s8 =	simm.s32 $0x0;
	s20 =	sshll.u32 s6, $0x1;
	s6 =	sadd.s32 s21, s4  }
0xa3: {  	[timem:s8], [sflag:s22] =	dma.local [hbm:s6], s20  }
0xa4: {  	_ =	swait.ge [sflag:s22], s20  }
0xa5: {  	s5 =	ssub.s32 $0x0, s20;
	[sflag:s22] =	ssyncset.done $0x0  }
0xa6: {  	[sflag:s22] =	ssyncadd.s32 s5;
	_ =	sdelay $0x1  }
0xa7: {  	s23 =	simm.s32 $0x1B8B  }
0xa8: {  	_ =	swait.ge [sflag:s23], $0x1  }
0xa9: {  	[sflag:s23] =	ssyncset.done $0x0  }
0xaa: {  	s25 =	simm.s32 $0x1B8E;
	s24 =	sld [smem:$0x3FFE];
	[sflag:s23] =	ssyncadd.s32 $0xFFFFFFFF  }
0xab: {  	s26 =	simm.s32 $execute0_lowered;
	[smem:$0x3FD2] =	sst s25  }
0xac: {  	s6 =	sshll.u32 s26, $0x1;
	_ =	strace $0x80000046;
	[dreg:$0x1] =	wrdreg $0xFFFFFFFF  }
0xad: {  	s28 =	simm.s32 $_size_execute0_lowered;
	s4 =	sadd.s32 s4, s6;
	[dreg:$0x0] =	wrdreg $0x0  }
0xae: {  	s6 =	sshll.u32 s28, $0x1;
	[dreg:$0x2] =	wrdreg s4  }
0xaf: {  	[dreg:$0x3] =	wrdreg s6  }
0xb0: {  	[dreg:$0x4] =	wrdreg $0xC0  }
0xb1: {  	_ =	task [dreg:s8], $0x5FFFF  }
0xb2: {  	[dreg:$0x1] =	wrdreg $0xFFFFFFFF  }
0xb3: {  	[dreg:$0x0] =	wrdreg $0x60  }
0xb4: {  	[dreg:$0x2] =	wrdreg s15  }
0xb5: {  	[dreg:$0x3] =	wrdreg s24  }
0xb6: {  	[dreg:$0x4] =	wrdreg s16  }
0xb7: {  	[dreg:$0x5] =	wrdreg $0x9  }
0xb8: {  	_ =	task.clear_ibuf [dreg:s8], $0x6FFFF;
	_ =	strace $0x90000046  }
0xb9: {  	s29 =	simm.s32 $0x9;
	_ =	strace $0x80000048  }
0xba: {  	_ =	swait.ge [sflag:s29], $0x1  }
0xbb: {  	[sflag:s29] =	ssyncadd.s32 $0xFFFFFFFF  }
0xbc: {  	_ =	strace $0x90000048  }
0xbd: {  	_ =	sfence  }
0xbe: {  	s30 =	sld [smem:$0x0];
	_ =	sdelay $0x2  }
0xbf: {  	s31 =	sshll.u32 s1, $0xD;
	s1 =	sshrl.u32 s1, $0x2  }
0xc0: {  	s3 =	sand.u32 $0x4000, s31;
	s1 =	sadd.s32 s1, s30  }
0xc1: {  	s0 =	sor.u32 s3, s0;
	s1 =	sshll.u32 s1, $0x11  }
0xc2: {  	s0 =	sor.u32 s1, s0  }
0xc3: {  	s0 =	sadd.s32 $0x8F2B, s0  }
0xc4: {  	[sflag:s0] =	ssyncadd.remote.s32 $0x1  }
0xc5: {  	_ =	sfence.sel $0xFFFF  }
0xc6: {  	[dreg:$0x0] =	wrdreg $0xFFFFFFFF;
	(pc) =	sbr.abs _section_cstart, $3  }
0xc7: {  	[dreg:$0x1] =	wrdreg $0xFFFFFFFF  }
0xc8: {  	_ =	task.clear_ibuf [dreg:s8], $0x2FFFF;
	_ =	strace $0x9FFFFFFF  }
0xc9: {  	(tm) =	ssettm $0x7FFFFFFF  }
tec
execute0_lowered:
.L_overlay_start_1:
0x0: {  	(tag) =	ssettag $0x1  }
0x1: {  	s0 =	srdreg.scid  }
0x2: {  	s1 =	rddreg [dreg:$0x0];
	s3 =	stileid.u32;
	s0 =	sand.u32 $0x1, s0  }
0x3: {  	s2 =	rddreg [dreg:$0x1];
	s3 =	sshll.u32 s3, $0xA;
	s4 =	sshll.u32 s0, $0x9  }
0x4: {  	s5 =	rddreg [dreg:$0x2];
	s4 =	sor.u32 s4, s3  }
0x5: {  	s31 =	simm.s32 $0x200;
	s3 =	simm.s32 $0x0;
	s6 =	sshrl.u32 s4, $0x3  }
0x6: {  	[smem:$0x7FF] =	sst s3;
	s4 =	sshll.u32 s4, $0x6;
	s2 =	sadd.s32 s6, s2  }
0x7: {  	_ =	strace $0x80000047;
	s5 =	sadd.s32 s5, s4;
	[dreg:$0x15] =	wrdreg s31  }
0x8: {  	s6 =	sadd.s32 $0xE00, s2;
	[dreg:$0x16] =	wrdreg s5  }
0x9: {  	s2 =	sadd.s32 $0x1600, s2;
	[dreg:$0x4] =	wrdreg s6  }
0xa: {  	s14 =	sadd.s32 $0x100, s5;
	[dreg:$0x5] =	wrdreg s2  }
0xb: {  	s15 =	sadd.s32 $0x1000, s5;
	[dreg:$0x6] =	wrdreg s14  }
0xc: {  	s16 =	sadd.s32 $0x1100, s5;
	[dreg:$0x7] =	wrdreg s15  }
0xd: {  	s17 =	sadd.s32 $0x2000, s5;
	[dreg:$0x8] =	wrdreg s16  }
0xe: {  	s18 =	sadd.s32 $0x2100, s5;
	[dreg:$0x9] =	wrdreg s17  }
0xf: {  	s19 =	sadd.s32 $0x3000, s5;
	[dreg:$0xa] =	wrdreg s18  }
0x10: {  	s20 =	sadd.s32 $0x3100, s5;
	[dreg:$0xb] =	wrdreg s19  }
0x11: {  	s21 =	sadd.s32 $0x4000, s5;
	[dreg:$0xc] =	wrdreg s20  }
0x12: {  	s22 =	sadd.s32 $0x4100, s5;
	[dreg:$0xd] =	wrdreg s21  }
0x13: {  	s23 =	sadd.s32 $0x5000, s5;
	[dreg:$0xe] =	wrdreg s22  }
0x14: {  	s24 =	sadd.s32 $0x5100, s5;
	[dreg:$0xf] =	wrdreg s23  }
0x15: {  	s13 =	simm.s32 $0x1;
	s25 =	sadd.s32 $0x6000, s5;
	[dreg:$0x10] =	wrdreg s24  }
0x16: {  	s0 =	ssub.s32 $0x2, s0;
	s26 =	sadd.s32 $0x6100, s5;
	[dreg:$0x11] =	wrdreg s25  }
0x17: {  	s29 =	sshrl.u32 s0, $0x1;
	s28 =	sadd.s32 $0x7000, s5;
	[dreg:$0x12] =	wrdreg s26  }
0x18: {  	s0 =	ssub.s32 s0, s29;
	s30 =	sadd.s32 $0x7100, s5;
	[dreg:$0x13] =	wrdreg s28  }
0x19: {  	s4 =	simm.s32 $0xC400;
	s5 =	smax.u32 s0, $0x1;
	[dreg:$0x14] =	wrdreg s30  }
0x1a: {  	s14 =	simm.s32 $0x800;
	s16 =	simm.s32 $0x1000;
	s17 =	simm.s32 $0x5  }
0x1b: {  	v2 =	vlaneseq.u32;
	s18 =	simm.s32 $0x2;
	s19 =	simm.s32 $0x6;
	s20 =	simm.s32 $0x3  }
0x1c: {  	vm0 =	vmmov $0xffff;
	v1 =	vshrl.u32 v2, $0x3;
	s21 =	simm.s32 $0x7;
	s22 =	simm.s32 $0x4;
	s24 =	simm.s32 $0x8  }
0x1d: {  	v0 =	vand.u32 $0x7, v2;
	v2 =	vor.u32 $0x8, v2;
	v1 =	vmul.u32 $0x8, v1;
	s15 =	simm.s32 $0x400;
	s23 =	simm.s32 $0x4400;
	s2 =	simm.s32 $0x8400  }
.LBB2_1:
0x1e: {  	s25 =	rddreg [dreg:$0x4];
	s0 =	simm.s32 $0x9  }
0x1f: {  	[tilespmem:s3], [sflag:$0x9] =	stream.linear.gather [hbm4b:s25+s3], $0x200, $0x38;
	[tilespmem:$0x10400] =	vst v63  }
0x20: {  	_ =	swait.ge [sflag:s0], $0x200  }
0x21: {  	s9 =	rddreg [dreg:$0x5];
	[sflag:s0] =	ssyncset.done $0x0  }
0x22: {  	s26 =	rddreg [dreg:$0x15];
	[sflag:s0] =	ssyncadd.s32 $0xFFFFFE00  }
0x23: {  	[tilespmem:s26], [sflag:$0x9] =	stream.linear.gather [hbm4b:s9+s3], $0x200, $0x38;
	[tilespmem:$0x10400] =	vst v63  }
0x24: {  	_ =	swait.ge [sflag:s0], $0x200  }
0x25: {  	[sflag:s0] =	ssyncset.done $0x0  }
0x26: {  	[sflag:s0] =	ssyncadd.s32 $0xFFFFFE00  }
0x27: {  	v3 =	vld [tilespmem:$0x0];
	_ =	sdelay $0x4  }
0x28: {  	v4 =	vshll.u32 v3, $0x1  }
0x29: {  	v3 =	vand.u32 $0x7, v3;
	v4 =	vand.u32 $0xFFFFFFF0, v4  }
0x2a: {  	v3 =	vor.u32 v3, v4  }
0x2b: {  	v4 =	vperm.xlane v3, v0;
	_ =	sdelay $0x1  }
0x2c: {  	v3 =	vperm.xlane v3, v2;
	v4 =	vadd.s32 v1, v4;
	_ =	sdelay $0x1  }
0x2d: {  	v3 =	vadd.s32 v1, v3;
	_ =	sdelay $0x2  }
0x2e: {  	[tilespmem:s15], [sflag:$0x1] =	stream.indirect_vreg.gather [hbm4b:s1+s3], $0x80, v4, vm0, $0xb8;
	[tilespmem:$0x10400] =	vst v63  }
0x2f: {  	s10 =	simm.s32 $0xC00  }
0x30: {  	[tilespmem:s10], [sflag:$0x1] =	stream.indirect_vreg.gather [hbm4b:s1+s3], $0x80, v3, vm0, $0xb8;
	[tilespmem:$0x10400] =	vst v63  }
0x31: {  	v3 =	vld [tilespmem:$0x10];
	_ =	sdelay $0x4  }
0x32: {  	v57 =	vshll.u32 v3, $0x1  }
0x33: {  	v3 =	vand.u32 $0x7, v3;
	v4 =	vand.u32 $0xFFFFFFF0, v57  }
0x34: {  	v3 =	vor.u32 v3, v4  }
0x35: {  	v4 =	vperm.xlane v3, v0;
	_ =	sdelay $0x1  }
0x36: {  	v3 =	vperm.xlane v3, v2;
	v4 =	vadd.s32 v1, v4;
	_ =	sdelay $0x1  }
0x37: {  	v3 =	vadd.s32 v1, v3;
	_ =	sdelay $0x1  }
0x38: {  	s11 =	simm.s32 $0x1400  }
0x39: {  	[tilespmem:s11], [sflag:$0x1] =	stream.indirect_vreg.gather [hbm4b:s1+s3], $0x80, v4, vm0, $0xb8;
	[tilespmem:$0x10400] =	vst v63  }
0x3a: {  	s12 =	simm.s32 $0x1C00  }
0x3b: {  	[tilespmem:s12], [sflag:$0x1] =	stream.indirect_vreg.gather [hbm4b:s1+s3], $0x80, v3, vm0, $0xb8;
	[tilespmem:$0x10400] =	vst v63  }
0x3c: {  	v3 =	vld [tilespmem:$0x20];
	_ =	sdelay $0x4  }
0x3d: {  	v58 =	vshll.u32 v3, $0x1  }
0x3e: {  	v3 =	vand.u32 $0x7, v3;
	v4 =	vand.u32 $0xFFFFFFF0, v58  }
0x3f: {  	v3 =	vor.u32 v3, v4  }
0x40: {  	v4 =	vperm.xlane v3, v0;
	_ =	sdelay $0x1  }
0x41: {  	v3 =	vperm.xlane v3, v2;
	v4 =	vadd.s32 v1, v4;
	_ =	sdelay $0x1  }
0x42: {  	v3 =	vadd.s32 v1, v3;
	_ =	sdelay $0x1  }
0x43: {  	s25 =	simm.s32 $0x2400  }
0x44: {  	[tilespmem:s25], [sflag:$0x1] =	stream.indirect_vreg.gather [hbm4b:s1+s3], $0x80, v4, vm0, $0xb8;
	[tilespmem:$0x10400] =	vst v63  }
0x45: {  	s26 =	simm.s32 $0x2C00  }
0x46: {  	[tilespmem:s26], [sflag:$0x1] =	stream.indirect_vreg.gather [hbm4b:s1+s3], $0x80, v3, vm0, $0xb8;
	[tilespmem:$0x10400] =	vst v63  }
0x47: {  	v3 =	vld [tilespmem:$0x30];
	_ =	sdelay $0x4  }
0x48: {  	v59 =	vshll.u32 v3, $0x1  }
0x49: {  	v3 =	vand.u32 $0x7, v3;
	v4 =	vand.u32 $0xFFFFFFF0, v59  }
0x4a: {  	v3 =	vor.u32 v3, v4  }
0x4b: {  	v4 =	vperm.xlane v3, v0;
	_ =	sdelay $0x1  }
0x4c: {  	v3 =	vperm.xlane v3, v2;
	v4 =	vadd.s32 v1, v4;
	_ =	sdelay $0x1  }
0x4d: {  	v3 =	vadd.s32 v1, v3;
	_ =	sdelay $0x1  }
0x4e: {  	s28 =	simm.s32 $0x3400  }
0x4f: {  	[tilespmem:s28], [sflag:$0x1] =	stream.indirect_vreg.gather [hbm4b:s1+s3], $0x80, v4, vm0, $0xb8;
	[tilespmem:$0x10400] =	vst v63  }
0x50: {  	s29 =	simm.s32 $0x3C00  }
0x51: {  	[tilespmem:s29], [sflag:$0x1] =	stream.indirect_vreg.gather [hbm4b:s1+s3], $0x80, v3, vm0, $0xb8;
	[tilespmem:$0x10400] =	vst v63  }
0x52: {  	v3 =	vld [tilespmem:$0x200];
	_ =	sdelay $0x4  }
0x53: {  	v60 =	vshll.u32 v3, $0x1  }
0x54: {  	v3 =	vand.u32 $0x7, v3;
	v4 =	vand.u32 $0xFFFFFFF0, v60  }
0x55: {  	v3 =	vor.u32 v3, v4  }
0x56: {  	v4 =	vperm.xlane v3, v0;
	_ =	sdelay $0x1  }
0x57: {  	v3 =	vperm.xlane v3, v2;
	v4 =	vadd.s32 v1, v4;
	_ =	sdelay $0x1  }
0x58: {  	v3 =	vadd.s32 v1, v3;
	_ =	sdelay $0x2  }
0x59: {  	[tilespmem:s23], [sflag:$0x2] =	stream.indirect_vreg.gather [hbm4b:s1+s3], $0x80, v4, vm0, $0xb8;
	[tilespmem:$0x10400] =	vst v63  }
0x5a: {  	s30 =	simm.s32 $0x4C00  }
0x5b: {  	[tilespmem:s30], [sflag:$0x2] =	stream.indirect_vreg.gather [hbm4b:s1+s3], $0x80, v3, vm0, $0xb8;
	[tilespmem:$0x10400] =	vst v63  }
0x5c: {  	v3 =	vld [tilespmem:$0x210];
	_ =	sdelay $0x4  }
0x5d: {  	v61 =	vshll.u32 v3, $0x1  }
0x5e: {  	v3 =	vand.u32 $0x7, v3;
	v4 =	vand.u32 $0xFFFFFFF0, v61  }
0x5f: {  	v3 =	vor.u32 v3, v4  }
0x60: {  	v4 =	vperm.xlane v3, v0;
	_ =	sdelay $0x1  }
0x61: {  	v3 =	vperm.xlane v3, v2;
	v4 =	vadd.s32 v1, v4;
	_ =	sdelay $0x1  }
0x62: {  	v3 =	vadd.s32 v1, v3;
	_ =	sdelay $0x1  }
0x63: {  	s31 =	simm.s32 $0x5400  }
0x64: {  	[tilespmem:s31], [sflag:$0x2] =	stream.indirect_vreg.gather [hbm4b:s1+s3], $0x80, v4, vm0, $0xb8;
	[tilespmem:$0x10400] =	vst v63  }
0x65: {  	s7 =	simm.s32 $0x5C00  }
0x66: {  	[tilespmem:s7], [sflag:$0x2] =	stream.indirect_vreg.gather [hbm4b:s1+s3], $0x80, v3, vm0, $0xb8;
	[tilespmem:$0x10400] =	vst v63  }
0x67: {  	v3 =	vld [tilespmem:$0x220];
	_ =	sdelay $0x4  }
0x68: {  	v62 =	vshll.u32 v3, $0x1  }
0x69: {  	v3 =	vand.u32 $0x7, v3;
	v4 =	vand.u32 $0xFFFFFFF0, v62  }
0x6a: {  	v3 =	vor.u32 v3, v4  }
0x6b: {  	v4 =	vperm.xlane v3, v0;
	_ =	sdelay $0x1  }
0x6c: {  	v3 =	vperm.xlane v3, v2;
	v4 =	vadd.s32 v1, v4;
	_ =	sdelay $0x1  }
0x6d: {  	v3 =	vadd.s32 v1, v3;
	_ =	sdelay $0x1  }
0x6e: {  	s8 =	simm.s32 $0x6400  }
0x6f: {  	[tilespmem:s8], [sflag:$0x2] =	stream.indirect_vreg.gather [hbm4b:s1+s3], $0x80, v4, vm0, $0xb8;
	[tilespmem:$0x10400] =	vst v63  }
0x70: {  	s9 =	simm.s32 $0x6C00  }
0x71: {  	[tilespmem:s9], [sflag:$0x2] =	stream.indirect_vreg.gather [hbm4b:s1+s3], $0x80, v3, vm0, $0xb8;
	[tilespmem:$0x10400] =	vst v63  }
0x72: {  	v3 =	vld [tilespmem:$0x230];
	_ =	sdelay $0x4  }
0x73: {  	v63 =	vshll.u32 v3, $0x1  }
0x74: {  	v3 =	vand.u32 $0x7, v3;
	v4 =	vand.u32 $0xFFFFFFF0, v63  }
0x75: {  	v3 =	vor.u32 v3, v4  }
0x76: {  	v4 =	vperm.xlane v3, v0;
	_ =	sdelay $0x1  }
0x77: {  	v3 =	vperm.xlane v3, v2;
	v4 =	vadd.s32 v1, v4;
	_ =	sdelay $0x1  }
0x78: {  	v3 =	vadd.s32 v1, v3;
	_ =	sdelay $0x1  }
0x79: {  	s10 =	simm.s32 $0x7400  }
0x7a: {  	[tilespmem:s10], [sflag:$0x2] =	stream.indirect_vreg.gather [hbm4b:s1+s3], $0x80, v4, vm0, $0xb8;
	[tilespmem:$0x10400] =	vst v63  }
0x7b: {  	s25 =	simm.s32 $0x7C00  }
0x7c: {  	[tilespmem:s25], [sflag:$0x2] =	stream.indirect_vreg.gather [hbm4b:s1+s3], $0x80, v3, vm0, $0xb8;
	[tilespmem:$0x10400] =	vst v63  }
0x7d: {  	v3 =	vld [tilespmem:$0x40];
	_ =	sdelay $0x4  }
0x7e: {  	v8 =	vshll.u32 v3, $0x1  }
0x7f: {  	v3 =	vand.u32 $0x7, v3;
	v4 =	vand.u32 $0xFFFFFFF0, v8  }
0x80: {  	v3 =	vor.u32 v3, v4  }
0x81: {  	v4 =	vperm.xlane v3, v0;
	_ =	sdelay $0x1  }
0x82: {  	v3 =	vperm.xlane v3, v2;
	v4 =	vadd.s32 v1, v4;
	_ =	sdelay $0x1  }
0x83: {  	v3 =	vadd.s32 v1, v3;
	_ =	sdelay $0x2  }
0x84: {  	[tilespmem:s2], [sflag:$0x3] =	stream.indirect_vreg.gather [hbm4b:s1+s3], $0x80, v4, vm0, $0xb8;
	[tilespmem:$0x10400] =	vst v63  }
0x85: {  	s26 =	simm.s32 $0x8C00  }
0x86: {  	[tilespmem:s26], [sflag:$0x3] =	stream.indirect_vreg.gather [hbm4b:s1+s3], $0x80, v3, vm0, $0xb8;
	[tilespmem:$0x10400] =	vst v63  }
0x87: {  	v3 =	vld [tilespmem:$0x50];
	_ =	sdelay $0x4  }
0x88: {  	v9 =	vshll.u32 v3, $0x1  }
0x89: {  	v3 =	vand.u32 $0x7, v3;
	v4 =	vand.u32 $0xFFFFFFF0, v9  }
0x8a: {  	v3 =	vor.u32 v3, v4  }
0x8b: {  	v4 =	vperm.xlane v3, v0;
	_ =	sdelay $0x1  }
0x8c: {  	v3 =	vperm.xlane v3, v2;
	v4 =	vadd.s32 v1, v4;
	_ =	sdelay $0x1  }
0x8d: {  	v3 =	vadd.s32 v1, v3;
	_ =	sdelay $0x1  }
0x8e: {  	s28 =	simm.s32 $0x9400  }
0x8f: {  	[tilespmem:s28], [sflag:$0x3] =	stream.indirect_vreg.gather [hbm4b:s1+s3], $0x80, v4, vm0, $0xb8;
	[tilespmem:$0x10400] =	vst v63  }
0x90: {  	s8 =	simm.s32 $0x9C00  }
0x91: {  	[tilespmem:s8], [sflag:$0x3] =	stream.indirect_vreg.gather [hbm4b:s1+s3], $0x80, v3, vm0, $0xb8;
	[tilespmem:$0x10400] =	vst v63  }
0x92: {  	v3 =	vld [tilespmem:$0x60];
	_ =	sdelay $0x4  }
0x93: {  	v10 =	vshll.u32 v3, $0x1  }
0x94: {  	v3 =	vand.u32 $0x7, v3;
	v4 =	vand.u32 $0xFFFFFFF0, v10  }
0x95: {  	v3 =	vor.u32 v3, v4  }
0x96: {  	v4 =	vperm.xlane v3, v0;
	_ =	sdelay $0x1  }
0x97: {  	v3 =	vperm.xlane v3, v2;
	v4 =	vadd.s32 v1, v4;
	_ =	sdelay $0x1  }
0x98: {  	v3 =	vadd.s32 v1, v3;
	_ =	sdelay $0x1  }
0x99: {  	s9 =	simm.s32 $0xA400  }
0x9a: {  	[tilespmem:s9], [sflag:$0x3] =	stream.indirect_vreg.gather [hbm4b:s1+s3], $0x80, v4, vm0, $0xb8;
	[tilespmem:$0x10400] =	vst v63  }
0x9b: {  	s10 =	simm.s32 $0xAC00  }
0x9c: {  	[tilespmem:s10], [sflag:$0x3] =	stream.indirect_vreg.gather [hbm4b:s1+s3], $0x80, v3, vm0, $0xb8;
	[tilespmem:$0x10400] =	vst v63  }
0x9d: {  	v3 =	vld [tilespmem:$0x70];
	_ =	sdelay $0x4  }
0x9e: {  	v11 =	vshll.u32 v3, $0x1  }
0x9f: {  	v3 =	vand.u32 $0x7, v3;
	v4 =	vand.u32 $0xFFFFFFF0, v11  }
0xa0: {  	v3 =	vor.u32 v3, v4  }
0xa1: {  	v4 =	vperm.xlane v3, v0;
	_ =	sdelay $0x1  }
0xa2: {  	v3 =	vperm.xlane v3, v2;
	v4 =	vadd.s32 v1, v4;
	_ =	sdelay $0x1  }
0xa3: {  	v3 =	vadd.s32 v1, v3;
	_ =	sdelay $0x1  }
0xa4: {  	s25 =	simm.s32 $0xB400  }
0xa5: {  	[tilespmem:s25], [sflag:$0x3] =	stream.indirect_vreg.gather [hbm4b:s1+s3], $0x80, v4, vm0, $0xb8;
	[tilespmem:$0x10400] =	vst v63  }
0xa6: {  	s26 =	simm.s32 $0xBC00  }
0xa7: {  	[tilespmem:s26], [sflag:$0x3] =	stream.indirect_vreg.gather [hbm4b:s1+s3], $0x80, v3, vm0, $0xb8;
	[tilespmem:$0x10400] =	vst v63  }
0xa8: {  	v3 =	vld [tilespmem:$0x240];
	_ =	sdelay $0x4  }
0xa9: {  	v12 =	vshll.u32 v3, $0x1  }
0xaa: {  	v3 =	vand.u32 $0x7, v3;
	v4 =	vand.u32 $0xFFFFFFF0, v12  }
0xab: {  	v3 =	vor.u32 v3, v4  }
0xac: {  	v4 =	vperm.xlane v3, v0;
	_ =	sdelay $0x1  }
0xad: {  	v3 =	vperm.xlane v3, v2;
	v4 =	vadd.s32 v1, v4;
	_ =	sdelay $0x1  }
0xae: {  	v3 =	vadd.s32 v1, v3;
	_ =	sdelay $0x2  }
0xaf: {  	[tilespmem:s4], [sflag:$0x4] =	stream.indirect_vreg.gather [hbm4b:s1+s3], $0x80, v4, vm0, $0xb8;
	[tilespmem:$0x10400] =	vst v63  }
0xb0: {  	s0 =	simm.s32 $0xCC00  }
0xb1: {  	[tilespmem:s0], [sflag:$0x4] =	stream.indirect_vreg.gather [hbm4b:s1+s3], $0x80, v3, vm0, $0xb8;
	[tilespmem:$0x10400] =	vst v63  }
0xb2: {  	v3 =	vld [tilespmem:$0x250];
	_ =	sdelay $0x4  }
0xb3: {  	v13 =	vshll.u32 v3, $0x1  }
0xb4: {  	v3 =	vand.u32 $0x7, v3;
	v4 =	vand.u32 $0xFFFFFFF0, v13  }
0xb5: {  	v3 =	vor.u32 v3, v4  }
0xb6: {  	v4 =	vperm.xlane v3, v0;
	_ =	sdelay $0x1  }
0xb7: {  	v3 =	vperm.xlane v3, v2;
	v4 =	vadd.s32 v1, v4;
	_ =	sdelay $0x1  }
0xb8: {  	v3 =	vadd.s32 v1, v3;
	_ =	sdelay $0x1  }
0xb9: {  	s8 =	simm.s32 $0xD400  }
0xba: {  	[tilespmem:s8], [sflag:$0x4] =	stream.indirect_vreg.gather [hbm4b:s1+s3], $0x80, v4, vm0, $0xb8;
	[tilespmem:$0x10400] =	vst v63  }
0xbb: {  	s9 =	simm.s32 $0xDC00  }
0xbc: {  	[tilespmem:s9], [sflag:$0x4] =	stream.indirect_vreg.gather [hbm4b:s1+s3], $0x80, v3, vm0, $0xb8;
	[tilespmem:$0x10400] =	vst v63  }
0xbd: {  	v3 =	vld [tilespmem:$0x260];
	_ =	sdelay $0x4  }
0xbe: {  	v14 =	vshll.u32 v3, $0x1  }
0xbf: {  	v3 =	vand.u32 $0x7, v3;
	v4 =	vand.u32 $0xFFFFFFF0, v14  }
0xc0: {  	v3 =	vor.u32 v3, v4  }
0xc1: {  	v4 =	vperm.xlane v3, v0;
	_ =	sdelay $0x1  }
0xc2: {  	v3 =	vperm.xlane v3, v2;
	v4 =	vadd.s32 v1, v4;
	_ =	sdelay $0x1  }
0xc3: {  	v3 =	vadd.s32 v1, v3;
	_ =	sdelay $0x1  }
0xc4: {  	s10 =	simm.s32 $0xE400  }
0xc5: {  	[tilespmem:s10], [sflag:$0x4] =	stream.indirect_vreg.gather [hbm4b:s1+s3], $0x80, v4, vm0, $0xb8;
	[tilespmem:$0x10400] =	vst v63  }
0xc6: {  	s0 =	simm.s32 $0xEC00  }
0xc7: {  	[tilespmem:s0], [sflag:$0x4] =	stream.indirect_vreg.gather [hbm4b:s1+s3], $0x80, v3, vm0, $0xb8;
	[tilespmem:$0x10400] =	vst v63  }
0xc8: {  	v3 =	vld [tilespmem:$0x270];
	_ =	sdelay $0x4  }
0xc9: {  	v15 =	vshll.u32 v3, $0x1  }
0xca: {  	v3 =	vand.u32 $0x7, v3;
	v4 =	vand.u32 $0xFFFFFFF0, v15  }
0xcb: {  	v3 =	vor.u32 v3, v4  }
0xcc: {  	v4 =	vperm.xlane v3, v0;
	_ =	sdelay $0x1  }
0xcd: {  	v3 =	vperm.xlane v3, v2;
	v4 =	vadd.s32 v1, v4;
	_ =	sdelay $0x1  }
0xce: {  	v3 =	vadd.s32 v1, v3;
	_ =	sdelay $0x1  }
0xcf: {  	s8 =	simm.s32 $0xF400  }
0xd0: {  	[tilespmem:s8], [sflag:$0x4] =	stream.indirect_vreg.gather [hbm4b:s1+s3], $0x80, v4, vm0, $0xb8;
	[tilespmem:$0x10400] =	vst v63  }
0xd1: {  	s9 =	simm.s32 $0xFC00  }
0xd2: {  	[tilespmem:s9], [sflag:$0x4] =	stream.indirect_vreg.gather [hbm4b:s1+s3], $0x80, v3, vm0, $0xb8;
	[tilespmem:$0x10400] =	vst v63  }
0xd3: {  	_ =	swait.ge [sflag:s13], $0x4000  }
0xd4: {  	[sflag:s13] =	ssyncset.done $0x0  }
0xd5: {  	s10 =	rddreg [dreg:$0x16];
	[sflag:s13] =	ssyncadd.s32 $0xFFFFC000  }
0xd6: {  	[hbm4b:s10+s14] =	stream.strided.scatter [tilespmem:s15], [sflag:$0x5], $0x4000, s16, s14, $0x38;
	[tilespmem:$0x10400] =	vst v63  }
0xd7: {  	_ =	swait.ge [sflag:s17], $0x4000  }
0xd8: {  	[sflag:s17] =	ssyncset.done $0x0  }
0xd9: {  	[sflag:s17] =	ssyncadd.s32 $0xFFFFC000  }
0xda: {  	v3 =	vld [tilespmem:$0x80];
	_ =	sdelay $0x4  }
0xdb: {  	v16 =	vshll.u32 v3, $0x1  }
0xdc: {  	v3 =	vand.u32 $0x7, v3;
	v4 =	vand.u32 $0xFFFFFFF0, v16  }
0xdd: {  	v3 =	vor.u32 v3, v4  }
0xde: {  	v4 =	vperm.xlane v3, v0;
	_ =	sdelay $0x1  }
0xdf: {  	v3 =	vperm.xlane v3, v2;
	v4 =	vadd.s32 v1, v4;
	_ =	sdelay $0x1  }
0xe0: {  	v3 =	vadd.s32 v1, v3;
	_ =	sdelay $0x2  }
0xe1: {  	[tilespmem:s15], [sflag:$0x1] =	stream.indirect_vreg.gather [hbm4b:s1+s3], $0x80, v4, vm0, $0xb8;
	[tilespmem:$0x10400] =	vst v63  }
0xe2: {  	s6 =	simm.s32 $0xC00  }
0xe3: {  	[tilespmem:s6], [sflag:$0x1] =	stream.indirect_vreg.gather [hbm4b:s1+s3], $0x80, v3, vm0, $0xb8;
	[tilespmem:$0x10400] =	vst v63  }
0xe4: {  	v3 =	vld [tilespmem:$0x90];
	_ =	sdelay $0x4  }
0xe5: {  	v17 =	vshll.u32 v3, $0x1  }
0xe6: {  	v3 =	vand.u32 $0x7, v3;
	v4 =	vand.u32 $0xFFFFFFF0, v17  }
0xe7: {  	v3 =	vor.u32 v3, v4  }
0xe8: {  	v4 =	vperm.xlane v3, v0;
	_ =	sdelay $0x1  }
0xe9: {  	v3 =	vperm.xlane v3, v2;
	v4 =	vadd.s32 v1, v4;
	_ =	sdelay $0x1  }
0xea: {  	v3 =	vadd.s32 v1, v3;
	_ =	sdelay $0x1  }
0xeb: {  	s11 =	simm.s32 $0x1400  }
0xec: {  	[tilespmem:s11], [sflag:$0x1] =	stream.indirect_vreg.gather [hbm4b:s1+s3], $0x80, v4, vm0, $0xb8;
	[tilespmem:$0x10400] =	vst v63  }
0xed: {  	s8 =	simm.s32 $0x1C00  }
0xee: {  	[tilespmem:s8], [sflag:$0x1] =	stream.indirect_vreg.gather [hbm4b:s1+s3], $0x80, v3, vm0, $0xb8;
	[tilespmem:$0x10400] =	vst v63  }
0xef: {  	v3 =	vld [tilespmem:$0xA0];
	_ =	sdelay $0x4  }
0xf0: {  	v18 =	vshll.u32 v3, $0x1  }
0xf1: {  	v3 =	vand.u32 $0x7, v3;
	v4 =	vand.u32 $0xFFFFFFF0, v18  }
0xf2: {  	v3 =	vor.u32 v3, v4  }
0xf3: {  	v4 =	vperm.xlane v3, v0;
	_ =	sdelay $0x1  }
0xf4: {  	v3 =	vperm.xlane v3, v2;
	v4 =	vadd.s32 v1, v4;
	_ =	sdelay $0x1  }
0xf5: {  	v3 =	vadd.s32 v1, v3;
	_ =	sdelay $0x1  }
0xf6: {  	s12 =	simm.s32 $0x2400  }
0xf7: {  	[tilespmem:s12], [sflag:$0x1] =	stream.indirect_vreg.gather [hbm4b:s1+s3], $0x80, v4, vm0, $0xb8;
	[tilespmem:$0x10400] =	vst v63  }
0xf8: {  	s9 =	simm.s32 $0x2C00  }
0xf9: {  	[tilespmem:s9], [sflag:$0x1] =	stream.indirect_vreg.gather [hbm4b:s1+s3], $0x80, v3, vm0, $0xb8;
	[tilespmem:$0x10400] =	vst v63  }
0xfa: {  	v3 =	vld [tilespmem:$0xB0];
	_ =	sdelay $0x4  }
0xfb: {  	v19 =	vshll.u32 v3, $0x1  }
0xfc: {  	v3 =	vand.u32 $0x7, v3;
	v4 =	vand.u32 $0xFFFFFFF0, v19  }
0xfd: {  	v3 =	vor.u32 v3, v4  }
0xfe: {  	v4 =	vperm.xlane v3, v0;
	_ =	sdelay $0x1  }
0xff: {  	v3 =	vperm.xlane v3, v2;
	v4 =	vadd.s32 v1, v4;
	_ =	sdelay $0x1  }
0x100: {  	v3 =	vadd.s32 v1, v3;
	_ =	sdelay $0x1  }
0x101: {  	s6 =	simm.s32 $0x3400  }
0x102: {  	[tilespmem:s6], [sflag:$0x1] =	stream.indirect_vreg.gather [hbm4b:s1+s3], $0x80, v4, vm0, $0xb8;
	[tilespmem:$0x10400] =	vst v63  }
0x103: {  	s10 =	simm.s32 $0x3C00  }
0x104: {  	[tilespmem:s10], [sflag:$0x1] =	stream.indirect_vreg.gather [hbm4b:s1+s3], $0x80, v3, vm0, $0xb8;
	[tilespmem:$0x10400] =	vst v63  }
0x105: {  	_ =	swait.ge [sflag:s18], $0x4000  }
0x106: {  	[sflag:s18] =	ssyncset.done $0x0  }
0x107: {  	s12 =	rddreg [dreg:$0x6];
	[sflag:s18] =	ssyncadd.s32 $0xFFFFC000  }
0x108: {  	[hbm4b:s12+s14] =	stream.strided.scatter [tilespmem:s23], [sflag:$0x6], $0x4000, s16, s14, $0x38;
	[tilespmem:$0x10400] =	vst v63  }
0x109: {  	_ =	swait.ge [sflag:s19], $0x4000  }
0x10a: {  	[sflag:s19] =	ssyncset.done $0x0  }
0x10b: {  	[sflag:s19] =	ssyncadd.s32 $0xFFFFC000  }
0x10c: {  	v3 =	vld [tilespmem:$0x280];
	_ =	sdelay $0x4  }
0x10d: {  	v20 =	vshll.u32 v3, $0x1  }
0x10e: {  	v3 =	vand.u32 $0x7, v3;
	v4 =	vand.u32 $0xFFFFFFF0, v20  }
0x10f: {  	v3 =	vor.u32 v3, v4  }
0x110: {  	v4 =	vperm.xlane v3, v0;
	_ =	sdelay $0x1  }
0x111: {  	v3 =	vperm.xlane v3, v2;
	v4 =	vadd.s32 v1, v4;
	_ =	sdelay $0x1  }
0x112: {  	v3 =	vadd.s32 v1, v3;
	_ =	sdelay $0x2  }
0x113: {  	[tilespmem:s23], [sflag:$0x2] =	stream.indirect_vreg.gather [hbm4b:s1+s3], $0x80, v4, vm0, $0xb8;
	[tilespmem:$0x10400] =	vst v63  }
0x114: {  	s30 =	simm.s32 $0x4C00  }
0x115: {  	[tilespmem:s30], [sflag:$0x2] =	stream.indirect_vreg.gather [hbm4b:s1+s3], $0x80, v3, vm0, $0xb8;
	[tilespmem:$0x10400] =	vst v63  }
0x116: {  	v3 =	vld [tilespmem:$0x290];
	_ =	sdelay $0x4  }
0x117: {  	v21 =	vshll.u32 v3, $0x1  }
0x118: {  	v3 =	vand.u32 $0x7, v3;
	v4 =	vand.u32 $0xFFFFFFF0, v21  }
0x119: {  	v3 =	vor.u32 v3, v4  }
0x11a: {  	v4 =	vperm.xlane v3, v0;
	_ =	sdelay $0x1  }
0x11b: {  	v3 =	vperm.xlane v3, v2;
	v4 =	vadd.s32 v1, v4;
	_ =	sdelay $0x1  }
0x11c: {  	v3 =	vadd.s32 v1, v3;
	_ =	sdelay $0x1  }
0x11d: {  	s29 =	simm.s32 $0x5400  }
0x11e: {  	[tilespmem:s29], [sflag:$0x2] =	stream.indirect_vreg.gather [hbm4b:s1+s3], $0x80, v4, vm0, $0xb8;
	[tilespmem:$0x10400] =	vst v63  }
0x11f: {  	s31 =	simm.s32 $0x5C00  }
0x120: {  	[tilespmem:s31], [sflag:$0x2] =	stream.indirect_vreg.gather [hbm4b:s1+s3], $0x80, v3, vm0, $0xb8;
	[tilespmem:$0x10400] =	vst v63  }
0x121: {  	v3 =	vld [tilespmem:$0x2A0];
	_ =	sdelay $0x4  }
0x122: {  	v22 =	vshll.u32 v3, $0x1  }
0x123: {  	v3 =	vand.u32 $0x7, v3;
	v4 =	vand.u32 $0xFFFFFFF0, v22  }
0x124: {  	v3 =	vor.u32 v3, v4  }
0x125: {  	v4 =	vperm.xlane v3, v0;
	_ =	sdelay $0x1  }
0x126: {  	v3 =	vperm.xlane v3, v2;
	v4 =	vadd.s32 v1, v4;
	_ =	sdelay $0x1  }
0x127: {  	v3 =	vadd.s32 v1, v3;
	_ =	sdelay $0x1  }
0x128: {  	s30 =	simm.s32 $0x6400  }
0x129: {  	[tilespmem:s30], [sflag:$0x2] =	stream.indirect_vreg.gather [hbm4b:s1+s3], $0x80, v4, vm0, $0xb8;
	[tilespmem:$0x10400] =	vst v63  }
0x12a: {  	s11 =	simm.s32 $0x6C00  }
0x12b: {  	[tilespmem:s11], [sflag:$0x2] =	stream.indirect_vreg.gather [hbm4b:s1+s3], $0x80, v3, vm0, $0xb8;
	[tilespmem:$0x10400] =	vst v63  }
0x12c: {  	v3 =	vld [tilespmem:$0x2B0];
	_ =	sdelay $0x4  }
0x12d: {  	v23 =	vshll.u32 v3, $0x1  }
0x12e: {  	v3 =	vand.u32 $0x7, v3;
	v4 =	vand.u32 $0xFFFFFFF0, v23  }
0x12f: {  	v3 =	vor.u32 v3, v4  }
0x130: {  	v4 =	vperm.xlane v3, v0;
	_ =	sdelay $0x1  }
0x131: {  	v3 =	vperm.xlane v3, v2;
	v4 =	vadd.s32 v1, v4;
	_ =	sdelay $0x1  }
0x132: {  	v3 =	vadd.s32 v1, v3;
	_ =	sdelay $0x1  }
0x133: {  	s31 =	simm.s32 $0x7400  }
0x134: {  	[tilespmem:s31], [sflag:$0x2] =	stream.indirect_vreg.gather [hbm4b:s1+s3], $0x80, v4, vm0, $0xb8;
	[tilespmem:$0x10400] =	vst v63  }
0x135: {  	s12 =	simm.s32 $0x7C00  }
0x136: {  	[tilespmem:s12], [sflag:$0x2] =	stream.indirect_vreg.gather [hbm4b:s1+s3], $0x80, v3, vm0, $0xb8;
	[tilespmem:$0x10400] =	vst v63  }
0x137: {  	_ =	swait.ge [sflag:s20], $0x4000  }
0x138: {  	[sflag:s20] =	ssyncset.done $0x0  }
0x139: {  	s0 =	rddreg [dreg:$0x7];
	[sflag:s20] =	ssyncadd.s32 $0xFFFFC000  }
0x13a: {  	[hbm4b:s0+s14] =	stream.strided.scatter [tilespmem:s2], [sflag:$0x7], $0x4000, s16, s14, $0x38;
	[tilespmem:$0x10400] =	vst v63  }
0x13b: {  	_ =	swait.ge [sflag:s21], $0x4000  }
0x13c: {  	[sflag:s21] =	ssyncset.done $0x0  }
0x13d: {  	[sflag:s21] =	ssyncadd.s32 $0xFFFFC000  }
0x13e: {  	v3 =	vld [tilespmem:$0xC0];
	_ =	sdelay $0x4  }
0x13f: {  	v24 =	vshll.u32 v3, $0x1  }
0x140: {  	v3 =	vand.u32 $0x7, v3;
	v4 =	vand.u32 $0xFFFFFFF0, v24  }
0x141: {  	v3 =	vor.u32 v3, v4  }
0x142: {  	v4 =	vperm.xlane v3, v0;
	_ =	sdelay $0x1  }
0x143: {  	v3 =	vperm.xlane v3, v2;
	v4 =	vadd.s32 v1, v4;
	_ =	sdelay $0x1  }
0x144: {  	v3 =	vadd.s32 v1, v3;
	_ =	sdelay $0x2  }
0x145: {  	[tilespmem:s2], [sflag:$0x3] =	stream.indirect_vreg.gather [hbm4b:s1+s3], $0x80, v4, vm0, $0xb8;
	[tilespmem:$0x10400] =	vst v63  }
0x146: {  	s7 =	simm.s32 $0x8C00  }
0x147: {  	[tilespmem:s7], [sflag:$0x3] =	stream.indirect_vreg.gather [hbm4b:s1+s3], $0x80, v3, vm0, $0xb8;
	[tilespmem:$0x10400] =	vst v63  }
0x148: {  	v3 =	vld [tilespmem:$0xD0];
	_ =	sdelay $0x4  }
0x149: {  	v25 =	vshll.u32 v3, $0x1  }
0x14a: {  	v3 =	vand.u32 $0x7, v3;
	v4 =	vand.u32 $0xFFFFFFF0, v25  }
0x14b: {  	v3 =	vor.u32 v3, v4  }
0x14c: {  	v4 =	vperm.xlane v3, v0;
	_ =	sdelay $0x1  }
0x14d: {  	v3 =	vperm.xlane v3, v2;
	v4 =	vadd.s32 v1, v4;
	_ =	sdelay $0x1  }
0x14e: {  	v3 =	vadd.s32 v1, v3;
	_ =	sdelay $0x1  }
0x14f: {  	s0 =	simm.s32 $0x9400  }
0x150: {  	[tilespmem:s0], [sflag:$0x3] =	stream.indirect_vreg.gather [hbm4b:s1+s3], $0x80, v4, vm0, $0xb8;
	[tilespmem:$0x10400] =	vst v63  }
0x151: {  	s28 =	simm.s32 $0x9C00  }
0x152: {  	[tilespmem:s28], [sflag:$0x3] =	stream.indirect_vreg.gather [hbm4b:s1+s3], $0x80, v3, vm0, $0xb8;
	[tilespmem:$0x10400] =	vst v63  }
0x153: {  	v3 =	vld [tilespmem:$0xE0];
	_ =	sdelay $0x4  }
0x154: {  	v26 =	vshll.u32 v3, $0x1  }
0x155: {  	v3 =	vand.u32 $0x7, v3;
	v4 =	vand.u32 $0xFFFFFFF0, v26  }
0x156: {  	v3 =	vor.u32 v3, v4  }
0x157: {  	v4 =	vperm.xlane v3, v0;
	_ =	sdelay $0x1  }
0x158: {  	v3 =	vperm.xlane v3, v2;
	v4 =	vadd.s32 v1, v4;
	_ =	sdelay $0x1  }
0x159: {  	v3 =	vadd.s32 v1, v3;
	_ =	sdelay $0x1  }
0x15a: {  	s7 =	simm.s32 $0xA400  }
0x15b: {  	[tilespmem:s7], [sflag:$0x3] =	stream.indirect_vreg.gather [hbm4b:s1+s3], $0x80, v4, vm0, $0xb8;
	[tilespmem:$0x10400] =	vst v63  }
0x15c: {  	s29 =	simm.s32 $0xAC00  }
0x15d: {  	[tilespmem:s29], [sflag:$0x3] =	stream.indirect_vreg.gather [hbm4b:s1+s3], $0x80, v3, vm0, $0xb8;
	[tilespmem:$0x10400] =	vst v63  }
0x15e: {  	v3 =	vld [tilespmem:$0xF0];
	_ =	sdelay $0x4  }
0x15f: {  	v27 =	vshll.u32 v3, $0x1  }
0x160: {  	v3 =	vand.u32 $0x7, v3;
	v4 =	vand.u32 $0xFFFFFFF0, v27  }
0x161: {  	v3 =	vor.u32 v3, v4  }
0x162: {  	v4 =	vperm.xlane v3, v0;
	_ =	sdelay $0x1  }
0x163: {  	v3 =	vperm.xlane v3, v2;
	v4 =	vadd.s32 v1, v4;
	_ =	sdelay $0x1  }
0x164: {  	v3 =	vadd.s32 v1, v3;
	_ =	sdelay $0x1  }
0x165: {  	s28 =	simm.s32 $0xB400  }
0x166: {  	[tilespmem:s28], [sflag:$0x3] =	stream.indirect_vreg.gather [hbm4b:s1+s3], $0x80, v4, vm0, $0xb8;
	[tilespmem:$0x10400] =	vst v63  }
0x167: {  	s26 =	simm.s32 $0xBC00  }
0x168: {  	[tilespmem:s26], [sflag:$0x3] =	stream.indirect_vreg.gather [hbm4b:s1+s3], $0x80, v3, vm0, $0xb8;
	[tilespmem:$0x10400] =	vst v63  }
0x169: {  	_ =	swait.ge [sflag:s22], $0x4000  }
0x16a: {  	[sflag:s22] =	ssyncset.done $0x0  }
0x16b: {  	s26 =	rddreg [dreg:$0x8];
	[sflag:s22] =	ssyncadd.s32 $0xFFFFC000  }
0x16c: {  	[hbm4b:s26+s14] =	stream.strided.scatter [tilespmem:s4], [sflag:$0x8], $0x4000, s16, s14, $0x38;
	[tilespmem:$0x10400] =	vst v63  }
0x16d: {  	_ =	swait.ge [sflag:s24], $0x4000  }
0x16e: {  	[sflag:s24] =	ssyncset.done $0x0  }
0x16f: {  	[sflag:s24] =	ssyncadd.s32 $0xFFFFC000  }
0x170: {  	v3 =	vld [tilespmem:$0x2C0];
	_ =	sdelay $0x4  }
0x171: {  	v28 =	vshll.u32 v3, $0x1  }
0x172: {  	v3 =	vand.u32 $0x7, v3;
	v4 =	vand.u32 $0xFFFFFFF0, v28  }
0x173: {  	v3 =	vor.u32 v3, v4  }
0x174: {  	v4 =	vperm.xlane v3, v0;
	_ =	sdelay $0x1  }
0x175: {  	v3 =	vperm.xlane v3, v2;
	v4 =	vadd.s32 v1, v4;
	_ =	sdelay $0x1  }
0x176: {  	v3 =	vadd.s32 v1, v3;
	_ =	sdelay $0x2  }
0x177: {  	[tilespmem:s4], [sflag:$0x4] =	stream.indirect_vreg.gather [hbm4b:s1+s3], $0x80, v4, vm0, $0xb8;
	[tilespmem:$0x10400] =	vst v63  }
0x178: {  	s26 =	simm.s32 $0xCC00  }
0x179: {  	[tilespmem:s26], [sflag:$0x4] =	stream.indirect_vreg.gather [hbm4b:s1+s3], $0x80, v3, vm0, $0xb8;
	[tilespmem:$0x10400] =	vst v63  }
0x17a: {  	v3 =	vld [tilespmem:$0x2D0];
	_ =	sdelay $0x4  }
0x17b: {  	v29 =	vshll.u32 v3, $0x1  }
0x17c: {  	v3 =	vand.u32 $0x7, v3;
	v4 =	vand.u32 $0xFFFFFFF0, v29  }
0x17d: {  	v3 =	vor.u32 v3, v4  }
0x17e: {  	v4 =	vperm.xlane v3, v0;
	_ =	sdelay $0x1  }
0x17f: {  	v3 =	vperm.xlane v3, v2;
	v4 =	vadd.s32 v1, v4;
	_ =	sdelay $0x1  }
0x180: {  	v3 =	vadd.s32 v1, v3;
	_ =	sdelay $0x1  }
0x181: {  	s26 =	simm.s32 $0xD400  }
0x182: {  	[tilespmem:s26], [sflag:$0x4] =	stream.indirect_vreg.gather [hbm4b:s1+s3], $0x80, v4, vm0, $0xb8;
	[tilespmem:$0x10400] =	vst v63  }
0x183: {  	s26 =	simm.s32 $0xDC00  }
0x184: {  	[tilespmem:s26], [sflag:$0x4] =	stream.indirect_vreg.gather [hbm4b:s1+s3], $0x80, v3, vm0, $0xb8;
	[tilespmem:$0x10400] =	vst v63  }
0x185: {  	v3 =	vld [tilespmem:$0x2E0];
	_ =	sdelay $0x4  }
0x186: {  	v30 =	vshll.u32 v3, $0x1  }
0x187: {  	v3 =	vand.u32 $0x7, v3;
	v4 =	vand.u32 $0xFFFFFFF0, v30  }
0x188: {  	v3 =	vor.u32 v3, v4  }
0x189: {  	v4 =	vperm.xlane v3, v0;
	_ =	sdelay $0x1  }
0x18a: {  	v3 =	vperm.xlane v3, v2;
	v4 =	vadd.s32 v1, v4;
	_ =	sdelay $0x1  }
0x18b: {  	v3 =	vadd.s32 v1, v3;
	_ =	sdelay $0x1  }
0x18c: {  	s26 =	simm.s32 $0xE400  }
0x18d: {  	[tilespmem:s26], [sflag:$0x4] =	stream.indirect_vreg.gather [hbm4b:s1+s3], $0x80, v4, vm0, $0xb8;
	[tilespmem:$0x10400] =	vst v63  }
0x18e: {  	s26 =	simm.s32 $0xEC00  }
0x18f: {  	[tilespmem:s26], [sflag:$0x4] =	stream.indirect_vreg.gather [hbm4b:s1+s3], $0x80, v3, vm0, $0xb8;
	[tilespmem:$0x10400] =	vst v63  }
0x190: {  	v3 =	vld [tilespmem:$0x2F0];
	_ =	sdelay $0x4  }
0x191: {  	v31 =	vshll.u32 v3, $0x1  }
0x192: {  	v3 =	vand.u32 $0x7, v3;
	v4 =	vand.u32 $0xFFFFFFF0, v31  }
0x193: {  	v3 =	vor.u32 v3, v4  }
0x194: {  	v4 =	vperm.xlane v3, v0;
	_ =	sdelay $0x1  }
0x195: {  	v3 =	vperm.xlane v3, v2;
	v4 =	vadd.s32 v1, v4;
	_ =	sdelay $0x1  }
0x196: {  	v3 =	vadd.s32 v1, v3;
	_ =	sdelay $0x1  }
0x197: {  	s26 =	simm.s32 $0xF400  }
0x198: {  	[tilespmem:s26], [sflag:$0x4] =	stream.indirect_vreg.gather [hbm4b:s1+s3], $0x80, v4, vm0, $0xb8;
	[tilespmem:$0x10400] =	vst v63  }
0x199: {  	s26 =	simm.s32 $0xFC00  }
0x19a: {  	[tilespmem:s26], [sflag:$0x4] =	stream.indirect_vreg.gather [hbm4b:s1+s3], $0x80, v3, vm0, $0xb8;
	[tilespmem:$0x10400] =	vst v63  }
0x19b: {  	_ =	swait.ge [sflag:s13], $0x4000  }
0x19c: {  	[sflag:s13] =	ssyncset.done $0x0  }
0x19d: {  	s26 =	rddreg [dreg:$0x9];
	[sflag:s13] =	ssyncadd.s32 $0xFFFFC000  }
0x19e: {  	[hbm4b:s26+s14] =	stream.strided.scatter [tilespmem:s15], [sflag:$0x5], $0x4000, s16, s14, $0x38;
	[tilespmem:$0x10400] =	vst v63  }
0x19f: {  	_ =	swait.ge [sflag:s17], $0x4000  }
0x1a0: {  	[sflag:s17] =	ssyncset.done $0x0  }
0x1a1: {  	[sflag:s17] =	ssyncadd.s32 $0xFFFFC000  }
0x1a2: {  	v3 =	vld [tilespmem:$0x100];
	_ =	sdelay $0x4  }
0x1a3: {  	v32 =	vshll.u32 v3, $0x1  }
0x1a4: {  	v3 =	vand.u32 $0x7, v3;
	v4 =	vand.u32 $0xFFFFFFF0, v32  }
0x1a5: {  	v3 =	vor.u32 v3, v4  }
0x1a6: {  	v4 =	vperm.xlane v3, v0;
	_ =	sdelay $0x1  }
0x1a7: {  	v3 =	vperm.xlane v3, v2;
	v4 =	vadd.s32 v1, v4;
	_ =	sdelay $0x1  }
0x1a8: {  	v3 =	vadd.s32 v1, v3;
	_ =	sdelay $0x2  }
0x1a9: {  	[tilespmem:s15], [sflag:$0x1] =	stream.indirect_vreg.gather [hbm4b:s1+s3], $0x80, v4, vm0, $0xb8;
	[tilespmem:$0x10400] =	vst v63  }
0x1aa: {  	s26 =	simm.s32 $0xC00  }
0x1ab: {  	[tilespmem:s26], [sflag:$0x1] =	stream.indirect_vreg.gather [hbm4b:s1+s3], $0x80, v3, vm0, $0xb8;
	[tilespmem:$0x10400] =	vst v63  }
0x1ac: {  	v3 =	vld [tilespmem:$0x110];
	_ =	sdelay $0x4  }
0x1ad: {  	v33 =	vshll.u32 v3, $0x1  }
0x1ae: {  	v3 =	vand.u32 $0x7, v3;
	v4 =	vand.u32 $0xFFFFFFF0, v33  }
0x1af: {  	v3 =	vor.u32 v3, v4  }
0x1b0: {  	v4 =	vperm.xlane v3, v0;
	_ =	sdelay $0x1  }
0x1b1: {  	v3 =	vperm.xlane v3, v2;
	v4 =	vadd.s32 v1, v4;
	_ =	sdelay $0x1  }
0x1b2: {  	v3 =	vadd.s32 v1, v3;
	_ =	sdelay $0x1  }
0x1b3: {  	s26 =	simm.s32 $0x1400  }
0x1b4: {  	[tilespmem:s26], [sflag:$0x1] =	stream.indirect_vreg.gather [hbm4b:s1+s3], $0x80, v4, vm0, $0xb8;
	[tilespmem:$0x10400] =	vst v63  }
0x1b5: {  	_ = 	snop  }
0x1b6: {  	[tilespmem:s8], [sflag:$0x1] =	stream.indirect_vreg.gather [hbm4b:s1+s3], $0x80, v3, vm0, $0xb8;
	[tilespmem:$0x10400] =	vst v63  }
0x1b7: {  	v3 =	vld [tilespmem:$0x120];
	_ =	sdelay $0x4  }
0x1b8: {  	v34 =	vshll.u32 v3, $0x1  }
0x1b9: {  	v3 =	vand.u32 $0x7, v3;
	v4 =	vand.u32 $0xFFFFFFF0, v34  }
0x1ba: {  	v3 =	vor.u32 v3, v4  }
0x1bb: {  	v4 =	vperm.xlane v3, v0;
	_ =	sdelay $0x1  }
0x1bc: {  	v3 =	vperm.xlane v3, v2;
	v4 =	vadd.s32 v1, v4;
	_ =	sdelay $0x1  }
0x1bd: {  	v3 =	vadd.s32 v1, v3;
	_ =	sdelay $0x1  }
0x1be: {  	s26 =	simm.s32 $0x2400  }
0x1bf: {  	[tilespmem:s26], [sflag:$0x1] =	stream.indirect_vreg.gather [hbm4b:s1+s3], $0x80, v4, vm0, $0xb8;
	[tilespmem:$0x10400] =	vst v63  }
0x1c0: {  	_ = 	snop  }
0x1c1: {  	[tilespmem:s9], [sflag:$0x1] =	stream.indirect_vreg.gather [hbm4b:s1+s3], $0x80, v3, vm0, $0xb8;
	[tilespmem:$0x10400] =	vst v63  }
0x1c2: {  	v3 =	vld [tilespmem:$0x130];
	_ =	sdelay $0x4  }
0x1c3: {  	v35 =	vshll.u32 v3, $0x1  }
0x1c4: {  	v3 =	vand.u32 $0x7, v3;
	v4 =	vand.u32 $0xFFFFFFF0, v35  }
0x1c5: {  	v3 =	vor.u32 v3, v4  }
0x1c6: {  	v4 =	vperm.xlane v3, v0;
	_ =	sdelay $0x1  }
0x1c7: {  	v3 =	vperm.xlane v3, v2;
	v4 =	vadd.s32 v1, v4;
	_ =	sdelay $0x1  }
0x1c8: {  	v3 =	vadd.s32 v1, v3;
	_ =	sdelay $0x2  }
0x1c9: {  	[tilespmem:s6], [sflag:$0x1] =	stream.indirect_vreg.gather [hbm4b:s1+s3], $0x80, v4, vm0, $0xb8;
	[tilespmem:$0x10400] =	vst v63  }
0x1ca: {  	_ = 	snop  }
0x1cb: {  	[tilespmem:s10], [sflag:$0x1] =	stream.indirect_vreg.gather [hbm4b:s1+s3], $0x80, v3, vm0, $0xb8;
	[tilespmem:$0x10400] =	vst v63  }
0x1cc: {  	_ =	swait.ge [sflag:s18], $0x4000  }
0x1cd: {  	[sflag:s18] =	ssyncset.done $0x0  }
0x1ce: {  	s6 =	rddreg [dreg:$0xa];
	[sflag:s18] =	ssyncadd.s32 $0xFFFFC000  }
0x1cf: {  	[hbm4b:s6+s14] =	stream.strided.scatter [tilespmem:s23], [sflag:$0x6], $0x4000, s16, s14, $0x38;
	[tilespmem:$0x10400] =	vst v63  }
0x1d0: {  	_ =	swait.ge [sflag:s19], $0x4000  }
0x1d1: {  	[sflag:s19] =	ssyncset.done $0x0  }
0x1d2: {  	[sflag:s19] =	ssyncadd.s32 $0xFFFFC000  }
0x1d3: {  	v3 =	vld [tilespmem:$0x300];
	_ =	sdelay $0x4  }
0x1d4: {  	v36 =	vshll.u32 v3, $0x1  }
0x1d5: {  	v3 =	vand.u32 $0x7, v3;
	v4 =	vand.u32 $0xFFFFFFF0, v36  }
0x1d6: {  	v3 =	vor.u32 v3, v4  }
0x1d7: {  	v4 =	vperm.xlane v3, v0;
	_ =	sdelay $0x1  }
0x1d8: {  	v3 =	vperm.xlane v3, v2;
	v4 =	vadd.s32 v1, v4;
	_ =	sdelay $0x1  }
0x1d9: {  	v3 =	vadd.s32 v1, v3;
	_ =	sdelay $0x2  }
0x1da: {  	[tilespmem:s23], [sflag:$0x2] =	stream.indirect_vreg.gather [hbm4b:s1+s3], $0x80, v4, vm0, $0xb8;
	[tilespmem:$0x10400] =	vst v63  }
0x1db: {  	s9 =	simm.s32 $0x4C00  }
0x1dc: {  	[tilespmem:s9], [sflag:$0x2] =	stream.indirect_vreg.gather [hbm4b:s1+s3], $0x80, v3, vm0, $0xb8;
	[tilespmem:$0x10400] =	vst v63  }
0x1dd: {  	v3 =	vld [tilespmem:$0x310];
	_ =	sdelay $0x4  }
0x1de: {  	v37 =	vshll.u32 v3, $0x1  }
0x1df: {  	v3 =	vand.u32 $0x7, v3;
	v4 =	vand.u32 $0xFFFFFFF0, v37  }
0x1e0: {  	v3 =	vor.u32 v3, v4  }
0x1e1: {  	v4 =	vperm.xlane v3, v0;
	_ =	sdelay $0x1  }
0x1e2: {  	v3 =	vperm.xlane v3, v2;
	v4 =	vadd.s32 v1, v4;
	_ =	sdelay $0x1  }
0x1e3: {  	v3 =	vadd.s32 v1, v3;
	_ =	sdelay $0x1  }
0x1e4: {  	s25 =	simm.s32 $0x5400  }
0x1e5: {  	[tilespmem:s25], [sflag:$0x2] =	stream.indirect_vreg.gather [hbm4b:s1+s3], $0x80, v4, vm0, $0xb8;
	[tilespmem:$0x10400] =	vst v63  }
0x1e6: {  	s26 =	simm.s32 $0x5C00  }
0x1e7: {  	[tilespmem:s26], [sflag:$0x2] =	stream.indirect_vreg.gather [hbm4b:s1+s3], $0x80, v3, vm0, $0xb8;
	[tilespmem:$0x10400] =	vst v63  }
0x1e8: {  	v3 =	vld [tilespmem:$0x320];
	_ =	sdelay $0x4  }
0x1e9: {  	v38 =	vshll.u32 v3, $0x1  }
0x1ea: {  	v3 =	vand.u32 $0x7, v3;
	v4 =	vand.u32 $0xFFFFFFF0, v38  }
0x1eb: {  	v3 =	vor.u32 v3, v4  }
0x1ec: {  	v4 =	vperm.xlane v3, v0;
	_ =	sdelay $0x1  }
0x1ed: {  	v3 =	vperm.xlane v3, v2;
	v4 =	vadd.s32 v1, v4;
	_ =	sdelay $0x1  }
0x1ee: {  	v3 =	vadd.s32 v1, v3;
	_ =	sdelay $0x2  }
0x1ef: {  	[tilespmem:s30], [sflag:$0x2] =	stream.indirect_vreg.gather [hbm4b:s1+s3], $0x80, v4, vm0, $0xb8;
	[tilespmem:$0x10400] =	vst v63  }
0x1f0: {  	_ = 	snop  }
0x1f1: {  	[tilespmem:s11], [sflag:$0x2] =	stream.indirect_vreg.gather [hbm4b:s1+s3], $0x80, v3, vm0, $0xb8;
	[tilespmem:$0x10400] =	vst v63  }
0x1f2: {  	v3 =	vld [tilespmem:$0x330];
	_ =	sdelay $0x4  }
0x1f3: {  	v39 =	vshll.u32 v3, $0x1  }
0x1f4: {  	v3 =	vand.u32 $0x7, v3;
	v4 =	vand.u32 $0xFFFFFFF0, v39  }
0x1f5: {  	v3 =	vor.u32 v3, v4  }
0x1f6: {  	v4 =	vperm.xlane v3, v0;
	_ =	sdelay $0x1  }
0x1f7: {  	v3 =	vperm.xlane v3, v2;
	v4 =	vadd.s32 v1, v4;
	_ =	sdelay $0x1  }
0x1f8: {  	v3 =	vadd.s32 v1, v3;
	_ =	sdelay $0x2  }
0x1f9: {  	[tilespmem:s31], [sflag:$0x2] =	stream.indirect_vreg.gather [hbm4b:s1+s3], $0x80, v4, vm0, $0xb8;
	[tilespmem:$0x10400] =	vst v63  }
0x1fa: {  	_ = 	snop  }
0x1fb: {  	[tilespmem:s12], [sflag:$0x2] =	stream.indirect_vreg.gather [hbm4b:s1+s3], $0x80, v3, vm0, $0xb8;
	[tilespmem:$0x10400] =	vst v63  }
0x1fc: {  	_ =	swait.ge [sflag:s20], $0x4000  }
0x1fd: {  	[sflag:s20] =	ssyncset.done $0x0  }
0x1fe: {  	s6 =	rddreg [dreg:$0xb];
	[sflag:s20] =	ssyncadd.s32 $0xFFFFC000  }
0x1ff: {  	[hbm4b:s6+s14] =	stream.strided.scatter [tilespmem:s2], [sflag:$0x7], $0x4000, s16, s14, $0x38;
	[tilespmem:$0x10400] =	vst v63  }
0x200: {  	_ =	swait.ge [sflag:s21], $0x4000  }
0x201: {  	[sflag:s21] =	ssyncset.done $0x0  }
0x202: {  	[sflag:s21] =	ssyncadd.s32 $0xFFFFC000  }
0x203: {  	v3 =	vld [tilespmem:$0x140];
	_ =	sdelay $0x4  }
0x204: {  	v40 =	vshll.u32 v3, $0x1  }
0x205: {  	v3 =	vand.u32 $0x7, v3;
	v4 =	vand.u32 $0xFFFFFFF0, v40  }
0x206: {  	v3 =	vor.u32 v3, v4  }
0x207: {  	v4 =	vperm.xlane v3, v0;
	_ =	sdelay $0x1  }
0x208: {  	v3 =	vperm.xlane v3, v2;
	v4 =	vadd.s32 v1, v4;
	_ =	sdelay $0x1  }
0x209: {  	v3 =	vadd.s32 v1, v3;
	_ =	sdelay $0x2  }
0x20a: {  	[tilespmem:s2], [sflag:$0x3] =	stream.indirect_vreg.gather [hbm4b:s1+s3], $0x80, v4, vm0, $0xb8;
	[tilespmem:$0x10400] =	vst v63  }
0x20b: {  	s9 =	simm.s32 $0x8C00  }
0x20c: {  	[tilespmem:s9], [sflag:$0x3] =	stream.indirect_vreg.gather [hbm4b:s1+s3], $0x80, v3, vm0, $0xb8;
	[tilespmem:$0x10400] =	vst v63  }
0x20d: {  	v3 =	vld [tilespmem:$0x150];
	_ =	sdelay $0x4  }
0x20e: {  	v41 =	vshll.u32 v3, $0x1  }
0x20f: {  	v3 =	vand.u32 $0x7, v3;
	v4 =	vand.u32 $0xFFFFFFF0, v41  }
0x210: {  	v3 =	vor.u32 v3, v4  }
0x211: {  	v4 =	vperm.xlane v3, v0;
	_ =	sdelay $0x1  }
0x212: {  	v3 =	vperm.xlane v3, v2;
	v4 =	vadd.s32 v1, v4;
	_ =	sdelay $0x1  }
0x213: {  	v3 =	vadd.s32 v1, v3;
	_ =	sdelay $0x2  }
0x214: {  	[tilespmem:s0], [sflag:$0x3] =	stream.indirect_vreg.gather [hbm4b:s1+s3], $0x80, v4, vm0, $0xb8;
	[tilespmem:$0x10400] =	vst v63  }
0x215: {  	s25 =	simm.s32 $0x9C00  }
0x216: {  	[tilespmem:s25], [sflag:$0x3] =	stream.indirect_vreg.gather [hbm4b:s1+s3], $0x80, v3, vm0, $0xb8;
	[tilespmem:$0x10400] =	vst v63  }
0x217: {  	v3 =	vld [tilespmem:$0x160];
	_ =	sdelay $0x4  }
0x218: {  	v42 =	vshll.u32 v3, $0x1  }
0x219: {  	v3 =	vand.u32 $0x7, v3;
	v4 =	vand.u32 $0xFFFFFFF0, v42  }
0x21a: {  	v3 =	vor.u32 v3, v4  }
0x21b: {  	v4 =	vperm.xlane v3, v0;
	_ =	sdelay $0x1  }
0x21c: {  	v3 =	vperm.xlane v3, v2;
	v4 =	vadd.s32 v1, v4;
	_ =	sdelay $0x1  }
0x21d: {  	v3 =	vadd.s32 v1, v3;
	_ =	sdelay $0x2  }
0x21e: {  	[tilespmem:s7], [sflag:$0x3] =	stream.indirect_vreg.gather [hbm4b:s1+s3], $0x80, v4, vm0, $0xb8;
	[tilespmem:$0x10400] =	vst v63  }
0x21f: {  	_ = 	snop  }
0x220: {  	[tilespmem:s29], [sflag:$0x3] =	stream.indirect_vreg.gather [hbm4b:s1+s3], $0x80, v3, vm0, $0xb8;
	[tilespmem:$0x10400] =	vst v63  }
0x221: {  	v3 =	vld [tilespmem:$0x170];
	_ =	sdelay $0x4  }
0x222: {  	v43 =	vshll.u32 v3, $0x1  }
0x223: {  	v3 =	vand.u32 $0x7, v3;
	v4 =	vand.u32 $0xFFFFFFF0, v43  }
0x224: {  	v3 =	vor.u32 v3, v4  }
0x225: {  	v4 =	vperm.xlane v3, v0;
	_ =	sdelay $0x1  }
0x226: {  	v3 =	vperm.xlane v3, v2;
	v4 =	vadd.s32 v1, v4;
	_ =	sdelay $0x1  }
0x227: {  	v3 =	vadd.s32 v1, v3;
	_ =	sdelay $0x2  }
0x228: {  	[tilespmem:s28], [sflag:$0x3] =	stream.indirect_vreg.gather [hbm4b:s1+s3], $0x80, v4, vm0, $0xb8;
	[tilespmem:$0x10400] =	vst v63  }
0x229: {  	s29 =	simm.s32 $0xBC00  }
0x22a: {  	[tilespmem:s29], [sflag:$0x3] =	stream.indirect_vreg.gather [hbm4b:s1+s3], $0x80, v3, vm0, $0xb8;
	[tilespmem:$0x10400] =	vst v63  }
0x22b: {  	_ =	swait.ge [sflag:s22], $0x4000  }
0x22c: {  	[sflag:s22] =	ssyncset.done $0x0  }
0x22d: {  	s31 =	rddreg [dreg:$0xc];
	[sflag:s22] =	ssyncadd.s32 $0xFFFFC000  }
0x22e: {  	[hbm4b:s31+s14] =	stream.strided.scatter [tilespmem:s4], [sflag:$0x8], $0x4000, s16, s14, $0x38;
	[tilespmem:$0x10400] =	vst v63  }
0x22f: {  	_ =	swait.ge [sflag:s24], $0x4000  }
0x230: {  	[sflag:s24] =	ssyncset.done $0x0  }
0x231: {  	[sflag:s24] =	ssyncadd.s32 $0xFFFFC000  }
0x232: {  	v3 =	vld [tilespmem:$0x340];
	_ =	sdelay $0x4  }
0x233: {  	v44 =	vshll.u32 v3, $0x1  }
0x234: {  	v3 =	vand.u32 $0x7, v3;
	v4 =	vand.u32 $0xFFFFFFF0, v44  }
0x235: {  	v3 =	vor.u32 v3, v4  }
0x236: {  	v4 =	vperm.xlane v3, v0;
	_ =	sdelay $0x1  }
0x237: {  	v3 =	vperm.xlane v3, v2;
	v4 =	vadd.s32 v1, v4;
	_ =	sdelay $0x1  }
0x238: {  	v3 =	vadd.s32 v1, v3;
	_ =	sdelay $0x2  }
0x239: {  	[tilespmem:s4], [sflag:$0x4] =	stream.indirect_vreg.gather [hbm4b:s1+s3], $0x80, v4, vm0, $0xb8;
	[tilespmem:$0x10400] =	vst v63  }
0x23a: {  	s28 =	simm.s32 $0xCC00  }
0x23b: {  	[tilespmem:s28], [sflag:$0x4] =	stream.indirect_vreg.gather [hbm4b:s1+s3], $0x80, v3, vm0, $0xb8;
	[tilespmem:$0x10400] =	vst v63  }
0x23c: {  	v3 =	vld [tilespmem:$0x350];
	_ =	sdelay $0x4  }
0x23d: {  	v45 =	vshll.u32 v3, $0x1  }
0x23e: {  	v3 =	vand.u32 $0x7, v3;
	v4 =	vand.u32 $0xFFFFFFF0, v45  }
0x23f: {  	v3 =	vor.u32 v3, v4  }
0x240: {  	v4 =	vperm.xlane v3, v0;
	_ =	sdelay $0x1  }
0x241: {  	v3 =	vperm.xlane v3, v2;
	v4 =	vadd.s32 v1, v4;
	_ =	sdelay $0x1  }
0x242: {  	v3 =	vadd.s32 v1, v3;
	_ =	sdelay $0x1  }
0x243: {  	s29 =	simm.s32 $0xD400  }
0x244: {  	[tilespmem:s29], [sflag:$0x4] =	stream.indirect_vreg.gather [hbm4b:s1+s3], $0x80, v4, vm0, $0xb8;
	[tilespmem:$0x10400] =	vst v63  }
0x245: {  	s31 =	simm.s32 $0xDC00  }
0x246: {  	[tilespmem:s31], [sflag:$0x4] =	stream.indirect_vreg.gather [hbm4b:s1+s3], $0x80, v3, vm0, $0xb8;
	[tilespmem:$0x10400] =	vst v63  }
0x247: {  	v3 =	vld [tilespmem:$0x360];
	_ =	sdelay $0x4  }
0x248: {  	v46 =	vshll.u32 v3, $0x1  }
0x249: {  	v3 =	vand.u32 $0x7, v3;
	v4 =	vand.u32 $0xFFFFFFF0, v46  }
0x24a: {  	v3 =	vor.u32 v3, v4  }
0x24b: {  	v4 =	vperm.xlane v3, v0;
	_ =	sdelay $0x1  }
0x24c: {  	v3 =	vperm.xlane v3, v2;
	v4 =	vadd.s32 v1, v4;
	_ =	sdelay $0x1  }
0x24d: {  	v3 =	vadd.s32 v1, v3;
	_ =	sdelay $0x1  }
0x24e: {  	s29 =	simm.s32 $0xE400  }
0x24f: {  	[tilespmem:s29], [sflag:$0x4] =	stream.indirect_vreg.gather [hbm4b:s1+s3], $0x80, v4, vm0, $0xb8;
	[tilespmem:$0x10400] =	vst v63  }
0x250: {  	s31 =	simm.s32 $0xEC00  }
0x251: {  	[tilespmem:s31], [sflag:$0x4] =	stream.indirect_vreg.gather [hbm4b:s1+s3], $0x80, v3, vm0, $0xb8;
	[tilespmem:$0x10400] =	vst v63  }
0x252: {  	v3 =	vld [tilespmem:$0x370];
	_ =	sdelay $0x4  }
0x253: {  	v47 =	vshll.u32 v3, $0x1  }
0x254: {  	v3 =	vand.u32 $0x7, v3;
	v4 =	vand.u32 $0xFFFFFFF0, v47  }
0x255: {  	v3 =	vor.u32 v3, v4  }
0x256: {  	v4 =	vperm.xlane v3, v0;
	_ =	sdelay $0x1  }
0x257: {  	v3 =	vperm.xlane v3, v2;
	v4 =	vadd.s32 v1, v4;
	_ =	sdelay $0x1  }
0x258: {  	v3 =	vadd.s32 v1, v3;
	_ =	sdelay $0x1  }
0x259: {  	s31 =	simm.s32 $0xF400  }
0x25a: {  	[tilespmem:s31], [sflag:$0x4] =	stream.indirect_vreg.gather [hbm4b:s1+s3], $0x80, v4, vm0, $0xb8;
	[tilespmem:$0x10400] =	vst v63  }
0x25b: {  	s25 =	simm.s32 $0xFC00  }
0x25c: {  	[tilespmem:s25], [sflag:$0x4] =	stream.indirect_vreg.gather [hbm4b:s1+s3], $0x80, v3, vm0, $0xb8;
	[tilespmem:$0x10400] =	vst v63  }
0x25d: {  	_ =	swait.ge [sflag:s13], $0x4000  }
0x25e: {  	[sflag:s13] =	ssyncset.done $0x0  }
0x25f: {  	s25 =	rddreg [dreg:$0xd];
	[sflag:s13] =	ssyncadd.s32 $0xFFFFC000  }
0x260: {  	[hbm4b:s25+s14] =	stream.strided.scatter [tilespmem:s15], [sflag:$0x5], $0x4000, s16, s14, $0x38;
	[tilespmem:$0x10400] =	vst v63  }
0x261: {  	_ =	swait.ge [sflag:s17], $0x4000  }
0x262: {  	[sflag:s17] =	ssyncset.done $0x0  }
0x263: {  	[sflag:s17] =	ssyncadd.s32 $0xFFFFC000  }
0x264: {  	v3 =	vld [tilespmem:$0x180];
	_ =	sdelay $0x4  }
0x265: {  	v48 =	vshll.u32 v3, $0x1  }
0x266: {  	v3 =	vand.u32 $0x7, v3;
	v4 =	vand.u32 $0xFFFFFFF0, v48  }
0x267: {  	v3 =	vor.u32 v3, v4  }
0x268: {  	v4 =	vperm.xlane v3, v0;
	_ =	sdelay $0x1  }
0x269: {  	v3 =	vperm.xlane v3, v2;
	v4 =	vadd.s32 v1, v4;
	_ =	sdelay $0x1  }
0x26a: {  	v3 =	vadd.s32 v1, v3;
	_ =	sdelay $0x2  }
0x26b: {  	[tilespmem:s15], [sflag:$0x1] =	stream.indirect_vreg.gather [hbm4b:s1+s3], $0x80, v4, vm0, $0xb8;
	[tilespmem:$0x10400] =	vst v63  }
0x26c: {  	s25 =	simm.s32 $0xC00  }
0x26d: {  	[tilespmem:s25], [sflag:$0x1] =	stream.indirect_vreg.gather [hbm4b:s1+s3], $0x80, v3, vm0, $0xb8;
	[tilespmem:$0x10400] =	vst v63  }
0x26e: {  	v3 =	vld [tilespmem:$0x190];
	_ =	sdelay $0x4  }
0x26f: {  	v49 =	vshll.u32 v3, $0x1  }
0x270: {  	v3 =	vand.u32 $0x7, v3;
	v4 =	vand.u32 $0xFFFFFFF0, v49  }
0x271: {  	v3 =	vor.u32 v3, v4  }
0x272: {  	v4 =	vperm.xlane v3, v0;
	_ =	sdelay $0x1  }
0x273: {  	v3 =	vperm.xlane v3, v2;
	v4 =	vadd.s32 v1, v4;
	_ =	sdelay $0x1  }
0x274: {  	v3 =	vadd.s32 v1, v3;
	_ =	sdelay $0x1  }
0x275: {  	s25 =	simm.s32 $0x1400  }
0x276: {  	[tilespmem:s25], [sflag:$0x1] =	stream.indirect_vreg.gather [hbm4b:s1+s3], $0x80, v4, vm0, $0xb8;
	[tilespmem:$0x10400] =	vst v63  }
0x277: {  	s8 =	simm.s32 $0x1C00  }
0x278: {  	[tilespmem:s8], [sflag:$0x1] =	stream.indirect_vreg.gather [hbm4b:s1+s3], $0x80, v3, vm0, $0xb8;
	[tilespmem:$0x10400] =	vst v63  }
0x279: {  	v3 =	vld [tilespmem:$0x1A0];
	_ =	sdelay $0x4  }
0x27a: {  	v50 =	vshll.u32 v3, $0x1  }
0x27b: {  	v3 =	vand.u32 $0x7, v3;
	v4 =	vand.u32 $0xFFFFFFF0, v50  }
0x27c: {  	v3 =	vor.u32 v3, v4  }
0x27d: {  	v4 =	vperm.xlane v3, v0;
	_ =	sdelay $0x1  }
0x27e: {  	v3 =	vperm.xlane v3, v2;
	v4 =	vadd.s32 v1, v4;
	_ =	sdelay $0x1  }
0x27f: {  	v3 =	vadd.s32 v1, v3;
	_ =	sdelay $0x1  }
0x280: {  	s25 =	simm.s32 $0x2400  }
0x281: {  	[tilespmem:s25], [sflag:$0x1] =	stream.indirect_vreg.gather [hbm4b:s1+s3], $0x80, v4, vm0, $0xb8;
	[tilespmem:$0x10400] =	vst v63  }
0x282: {  	s25 =	simm.s32 $0x2C00  }
0x283: {  	[tilespmem:s25], [sflag:$0x1] =	stream.indirect_vreg.gather [hbm4b:s1+s3], $0x80, v3, vm0, $0xb8;
	[tilespmem:$0x10400] =	vst v63  }
0x284: {  	v3 =	vld [tilespmem:$0x1B0];
	_ =	sdelay $0x4  }
0x285: {  	v51 =	vshll.u32 v3, $0x1  }
0x286: {  	v3 =	vand.u32 $0x7, v3;
	v4 =	vand.u32 $0xFFFFFFF0, v51  }
0x287: {  	v3 =	vor.u32 v3, v4  }
0x288: {  	v4 =	vperm.xlane v3, v0;
	_ =	sdelay $0x1  }
0x289: {  	v3 =	vperm.xlane v3, v2;
	v4 =	vadd.s32 v1, v4;
	_ =	sdelay $0x1  }
0x28a: {  	v3 =	vadd.s32 v1, v3;
	_ =	sdelay $0x1  }
0x28b: {  	s25 =	simm.s32 $0x3400  }
0x28c: {  	[tilespmem:s25], [sflag:$0x1] =	stream.indirect_vreg.gather [hbm4b:s1+s3], $0x80, v4, vm0, $0xb8;
	[tilespmem:$0x10400] =	vst v63  }
0x28d: {  	s10 =	simm.s32 $0x3C00  }
0x28e: {  	[tilespmem:s10], [sflag:$0x1] =	stream.indirect_vreg.gather [hbm4b:s1+s3], $0x80, v3, vm0, $0xb8;
	[tilespmem:$0x10400] =	vst v63  }
0x28f: {  	_ =	swait.ge [sflag:s18], $0x4000  }
0x290: {  	[sflag:s18] =	ssyncset.done $0x0  }
0x291: {  	s10 =	rddreg [dreg:$0xe];
	[sflag:s18] =	ssyncadd.s32 $0xFFFFC000  }
0x292: {  	[hbm4b:s10+s14] =	stream.strided.scatter [tilespmem:s23], [sflag:$0x6], $0x4000, s16, s14, $0x38;
	[tilespmem:$0x10400] =	vst v63  }
0x293: {  	_ =	swait.ge [sflag:s19], $0x4000  }
0x294: {  	[sflag:s19] =	ssyncset.done $0x0  }
0x295: {  	[sflag:s19] =	ssyncadd.s32 $0xFFFFC000  }
0x296: {  	v3 =	vld [tilespmem:$0x380];
	_ =	sdelay $0x4  }
0x297: {  	v52 =	vshll.u32 v3, $0x1  }
0x298: {  	v3 =	vand.u32 $0x7, v3;
	v4 =	vand.u32 $0xFFFFFFF0, v52  }
0x299: {  	v3 =	vor.u32 v3, v4  }
0x29a: {  	v4 =	vperm.xlane v3, v0;
	_ =	sdelay $0x1  }
0x29b: {  	v3 =	vperm.xlane v3, v2;
	v4 =	vadd.s32 v1, v4;
	_ =	sdelay $0x1  }
0x29c: {  	v3 =	vadd.s32 v1, v3;
	_ =	sdelay $0x2  }
0x29d: {  	[tilespmem:s23], [sflag:$0x2] =	stream.indirect_vreg.gather [hbm4b:s1+s3], $0x80, v4, vm0, $0xb8;
	[tilespmem:$0x10400] =	vst v63  }
0x29e: {  	s25 =	simm.s32 $0x4C00  }
0x29f: {  	[tilespmem:s25], [sflag:$0x2] =	stream.indirect_vreg.gather [hbm4b:s1+s3], $0x80, v3, vm0, $0xb8;
	[tilespmem:$0x10400] =	vst v63  }
0x2a0: {  	v3 =	vld [tilespmem:$0x390];
	_ =	sdelay $0x4  }
0x2a1: {  	v53 =	vshll.u32 v3, $0x1  }
0x2a2: {  	v3 =	vand.u32 $0x7, v3;
	v4 =	vand.u32 $0xFFFFFFF0, v53  }
0x2a3: {  	v3 =	vor.u32 v3, v4  }
0x2a4: {  	v4 =	vperm.xlane v3, v0;
	_ =	sdelay $0x1  }
0x2a5: {  	v3 =	vperm.xlane v3, v2;
	v4 =	vadd.s32 v1, v4;
	_ =	sdelay $0x1  }
0x2a6: {  	v3 =	vadd.s32 v1, v3;
	_ =	sdelay $0x1  }
0x2a7: {  	s10 =	simm.s32 $0x5400  }
0x2a8: {  	[tilespmem:s10], [sflag:$0x2] =	stream.indirect_vreg.gather [hbm4b:s1+s3], $0x80, v4, vm0, $0xb8;
	[tilespmem:$0x10400] =	vst v63  }
0x2a9: {  	s25 =	simm.s32 $0x5C00  }
0x2aa: {  	[tilespmem:s25], [sflag:$0x2] =	stream.indirect_vreg.gather [hbm4b:s1+s3], $0x80, v3, vm0, $0xb8;
	[tilespmem:$0x10400] =	vst v63  }
0x2ab: {  	v3 =	vld [tilespmem:$0x3A0];
	_ =	sdelay $0x4  }
0x2ac: {  	v54 =	vshll.u32 v3, $0x1  }
0x2ad: {  	v3 =	vand.u32 $0x7, v3;
	v4 =	vand.u32 $0xFFFFFFF0, v54  }
0x2ae: {  	v3 =	vor.u32 v3, v4  }
0x2af: {  	v4 =	vperm.xlane v3, v0;
	_ =	sdelay $0x1  }
0x2b0: {  	v3 =	vperm.xlane v3, v2;
	v4 =	vadd.s32 v1, v4;
	_ =	sdelay $0x1  }
0x2b1: {  	v3 =	vadd.s32 v1, v3;
	_ =	sdelay $0x1  }
0x2b2: {  	s30 =	simm.s32 $0x6400  }
0x2b3: {  	[tilespmem:s30], [sflag:$0x2] =	stream.indirect_vreg.gather [hbm4b:s1+s3], $0x80, v4, vm0, $0xb8;
	[tilespmem:$0x10400] =	vst v63  }
0x2b4: {  	s11 =	simm.s32 $0x6C00  }
0x2b5: {  	[tilespmem:s11], [sflag:$0x2] =	stream.indirect_vreg.gather [hbm4b:s1+s3], $0x80, v3, vm0, $0xb8;
	[tilespmem:$0x10400] =	vst v63  }
0x2b6: {  	v3 =	vld [tilespmem:$0x3B0];
	_ =	sdelay $0x4  }
0x2b7: {  	v55 =	vshll.u32 v3, $0x1  }
0x2b8: {  	v3 =	vand.u32 $0x7, v3;
	v4 =	vand.u32 $0xFFFFFFF0, v55  }
0x2b9: {  	v3 =	vor.u32 v3, v4  }
0x2ba: {  	v4 =	vperm.xlane v3, v0;
	_ =	sdelay $0x1  }
0x2bb: {  	v3 =	vperm.xlane v3, v2;
	v4 =	vadd.s32 v1, v4;
	_ =	sdelay $0x1  }
0x2bc: {  	v3 =	vadd.s32 v1, v3;
	_ =	sdelay $0x1  }
0x2bd: {  	s26 =	simm.s32 $0x7400  }
0x2be: {  	[tilespmem:s26], [sflag:$0x2] =	stream.indirect_vreg.gather [hbm4b:s1+s3], $0x80, v4, vm0, $0xb8;
	[tilespmem:$0x10400] =	vst v63  }
0x2bf: {  	s12 =	simm.s32 $0x7C00  }
0x2c0: {  	[tilespmem:s12], [sflag:$0x2] =	stream.indirect_vreg.gather [hbm4b:s1+s3], $0x80, v3, vm0, $0xb8;
	[tilespmem:$0x10400] =	vst v63  }
0x2c1: {  	_ =	swait.ge [sflag:s20], $0x4000  }
0x2c2: {  	[sflag:s20] =	ssyncset.done $0x0  }
0x2c3: {  	s26 =	rddreg [dreg:$0xf];
	[sflag:s20] =	ssyncadd.s32 $0xFFFFC000  }
0x2c4: {  	[hbm4b:s26+s14] =	stream.strided.scatter [tilespmem:s2], [sflag:$0x7], $0x4000, s16, s14, $0x38;
	[tilespmem:$0x10400] =	vst v63  }
0x2c5: {  	_ =	swait.ge [sflag:s21], $0x4000  }
0x2c6: {  	[sflag:s21] =	ssyncset.done $0x0  }
0x2c7: {  	[sflag:s21] =	ssyncadd.s32 $0xFFFFC000  }
0x2c8: {  	v3 =	vld [tilespmem:$0x1C0];
	_ =	sdelay $0x4  }
0x2c9: {  	v56 =	vshll.u32 v3, $0x1  }
0x2ca: {  	v3 =	vand.u32 $0x7, v3;
	v4 =	vand.u32 $0xFFFFFFF0, v56  }
0x2cb: {  	v3 =	vor.u32 v3, v4  }
0x2cc: {  	v4 =	vperm.xlane v3, v0;
	_ =	sdelay $0x1  }
0x2cd: {  	v3 =	vperm.xlane v3, v2;
	v4 =	vadd.s32 v1, v4;
	_ =	sdelay $0x1  }
0x2ce: {  	v3 =	vadd.s32 v1, v3;
	_ =	sdelay $0x2  }
0x2cf: {  	[tilespmem:s2], [sflag:$0x3] =	stream.indirect_vreg.gather [hbm4b:s1+s3], $0x80, v4, vm0, $0xb8;
	[tilespmem:$0x10400] =	vst v63  }
0x2d0: {  	s30 =	simm.s32 $0x8C00  }
0x2d1: {  	[tilespmem:s30], [sflag:$0x3] =	stream.indirect_vreg.gather [hbm4b:s1+s3], $0x80, v3, vm0, $0xb8;
	[tilespmem:$0x10400] =	vst v63  }
0x2d2: {  	v3 =	vld [tilespmem:$0x1D0];
	_ =	sdelay $0x4  }
0x2d3: {  	v57 =	vshll.u32 v3, $0x1  }
0x2d4: {  	v3 =	vand.u32 $0x7, v3;
	v4 =	vand.u32 $0xFFFFFFF0, v57  }
0x2d5: {  	v3 =	vor.u32 v3, v4  }
0x2d6: {  	v4 =	vperm.xlane v3, v0;
	_ =	sdelay $0x1  }
0x2d7: {  	v3 =	vperm.xlane v3, v2;
	v4 =	vadd.s32 v1, v4;
	_ =	sdelay $0x1  }
0x2d8: {  	v3 =	vadd.s32 v1, v3;
	_ =	sdelay $0x1  }
0x2d9: {  	s0 =	simm.s32 $0x9400  }
0x2da: {  	[tilespmem:s0], [sflag:$0x3] =	stream.indirect_vreg.gather [hbm4b:s1+s3], $0x80, v4, vm0, $0xb8;
	[tilespmem:$0x10400] =	vst v63  }
0x2db: {  	s8 =	simm.s32 $0x9C00  }
0x2dc: {  	[tilespmem:s8], [sflag:$0x3] =	stream.indirect_vreg.gather [hbm4b:s1+s3], $0x80, v3, vm0, $0xb8;
	[tilespmem:$0x10400] =	vst v63  }
0x2dd: {  	v3 =	vld [tilespmem:$0x1E0];
	_ =	sdelay $0x4  }
0x2de: {  	v58 =	vshll.u32 v3, $0x1  }
0x2df: {  	v3 =	vand.u32 $0x7, v3;
	v4 =	vand.u32 $0xFFFFFFF0, v58  }
0x2e0: {  	v3 =	vor.u32 v3, v4  }
0x2e1: {  	v4 =	vperm.xlane v3, v0;
	_ =	sdelay $0x1  }
0x2e2: {  	v3 =	vperm.xlane v3, v2;
	v4 =	vadd.s32 v1, v4;
	_ =	sdelay $0x1  }
0x2e3: {  	v3 =	vadd.s32 v1, v3;
	_ =	sdelay $0x1  }
0x2e4: {  	s7 =	simm.s32 $0xA400  }
0x2e5: {  	[tilespmem:s7], [sflag:$0x3] =	stream.indirect_vreg.gather [hbm4b:s1+s3], $0x80, v4, vm0, $0xb8;
	[tilespmem:$0x10400] =	vst v63  }
0x2e6: {  	s9 =	simm.s32 $0xAC00  }
0x2e7: {  	[tilespmem:s9], [sflag:$0x3] =	stream.indirect_vreg.gather [hbm4b:s1+s3], $0x80, v3, vm0, $0xb8;
	[tilespmem:$0x10400] =	vst v63  }
0x2e8: {  	v3 =	vld [tilespmem:$0x1F0];
	_ =	sdelay $0x4  }
0x2e9: {  	v59 =	vshll.u32 v3, $0x1  }
0x2ea: {  	v3 =	vand.u32 $0x7, v3;
	v4 =	vand.u32 $0xFFFFFFF0, v59  }
0x2eb: {  	v3 =	vor.u32 v3, v4  }
0x2ec: {  	v4 =	vperm.xlane v3, v0;
	_ =	sdelay $0x1  }
0x2ed: {  	v3 =	vperm.xlane v3, v2;
	v4 =	vadd.s32 v1, v4;
	_ =	sdelay $0x1  }
0x2ee: {  	v3 =	vadd.s32 v1, v3;
	_ =	sdelay $0x1  }
0x2ef: {  	s6 =	simm.s32 $0xB400  }
0x2f0: {  	[tilespmem:s6], [sflag:$0x3] =	stream.indirect_vreg.gather [hbm4b:s1+s3], $0x80, v4, vm0, $0xb8;
	[tilespmem:$0x10400] =	vst v63  }
0x2f1: {  	s9 =	simm.s32 $0xBC00  }
0x2f2: {  	[tilespmem:s9], [sflag:$0x3] =	stream.indirect_vreg.gather [hbm4b:s1+s3], $0x80, v3, vm0, $0xb8;
	[tilespmem:$0x10400] =	vst v63  }
0x2f3: {  	_ =	swait.ge [sflag:s22], $0x4000  }
0x2f4: {  	[sflag:s22] =	ssyncset.done $0x0  }
0x2f5: {  	s10 =	rddreg [dreg:$0x10];
	[sflag:s22] =	ssyncadd.s32 $0xFFFFC000  }
0x2f6: {  	[hbm4b:s10+s14] =	stream.strided.scatter [tilespmem:s4], [sflag:$0x8], $0x4000, s16, s14, $0x38;
	[tilespmem:$0x10400] =	vst v63  }
0x2f7: {  	_ =	swait.ge [sflag:s24], $0x4000  }
0x2f8: {  	[sflag:s24] =	ssyncset.done $0x0  }
0x2f9: {  	[sflag:s24] =	ssyncadd.s32 $0xFFFFC000  }
0x2fa: {  	v3 =	vld [tilespmem:$0x3C0];
	_ =	sdelay $0x4  }
0x2fb: {  	v60 =	vshll.u32 v3, $0x1  }
0x2fc: {  	v3 =	vand.u32 $0x7, v3;
	v4 =	vand.u32 $0xFFFFFFF0, v60  }
0x2fd: {  	v3 =	vor.u32 v3, v4  }
0x2fe: {  	v4 =	vperm.xlane v3, v0;
	_ =	sdelay $0x1  }
0x2ff: {  	v3 =	vperm.xlane v3, v2;
	v4 =	vadd.s32 v1, v4;
	_ =	sdelay $0x1  }
0x300: {  	v3 =	vadd.s32 v1, v3;
	_ =	sdelay $0x2  }
0x301: {  	[tilespmem:s4], [sflag:$0x4] =	stream.indirect_vreg.gather [hbm4b:s1+s3], $0x80, v4, vm0, $0xb8;
	[tilespmem:$0x10400] =	vst v63  }
0x302: {  	s11 =	simm.s32 $0xCC00  }
0x303: {  	[tilespmem:s11], [sflag:$0x4] =	stream.indirect_vreg.gather [hbm4b:s1+s3], $0x80, v3, vm0, $0xb8;
	[tilespmem:$0x10400] =	vst v63  }
0x304: {  	v3 =	vld [tilespmem:$0x3D0];
	_ =	sdelay $0x4  }
0x305: {  	v61 =	vshll.u32 v3, $0x1  }
0x306: {  	v3 =	vand.u32 $0x7, v3;
	v4 =	vand.u32 $0xFFFFFFF0, v61  }
0x307: {  	v3 =	vor.u32 v3, v4  }
0x308: {  	v4 =	vperm.xlane v3, v0;
	_ =	sdelay $0x1  }
0x309: {  	v3 =	vperm.xlane v3, v2;
	v4 =	vadd.s32 v1, v4;
	_ =	sdelay $0x1  }
0x30a: {  	v3 =	vadd.s32 v1, v3;
	_ =	sdelay $0x1  }
0x30b: {  	s28 =	simm.s32 $0xD400  }
0x30c: {  	[tilespmem:s28], [sflag:$0x4] =	stream.indirect_vreg.gather [hbm4b:s1+s3], $0x80, v4, vm0, $0xb8;
	[tilespmem:$0x10400] =	vst v63  }
0x30d: {  	s12 =	simm.s32 $0xDC00  }
0x30e: {  	[tilespmem:s12], [sflag:$0x4] =	stream.indirect_vreg.gather [hbm4b:s1+s3], $0x80, v3, vm0, $0xb8;
	[tilespmem:$0x10400] =	vst v63  }
0x30f: {  	v3 =	vld [tilespmem:$0x3E0];
	_ =	sdelay $0x4  }
0x310: {  	v62 =	vshll.u32 v3, $0x1  }
0x311: {  	v3 =	vand.u32 $0x7, v3;
	v4 =	vand.u32 $0xFFFFFFF0, v62  }
0x312: {  	v3 =	vor.u32 v3, v4  }
0x313: {  	v4 =	vperm.xlane v3, v0;
	_ =	sdelay $0x1  }
0x314: {  	v3 =	vperm.xlane v3, v2;
	v4 =	vadd.s32 v1, v4;
	_ =	sdelay $0x1  }
0x315: {  	v3 =	vadd.s32 v1, v3;
	_ =	sdelay $0x1  }
0x316: {  	s29 =	simm.s32 $0xE400  }
0x317: {  	[tilespmem:s29], [sflag:$0x4] =	stream.indirect_vreg.gather [hbm4b:s1+s3], $0x80, v4, vm0, $0xb8;
	[tilespmem:$0x10400] =	vst v63  }
0x318: {  	s25 =	simm.s32 $0xEC00  }
0x319: {  	[tilespmem:s25], [sflag:$0x4] =	stream.indirect_vreg.gather [hbm4b:s1+s3], $0x80, v3, vm0, $0xb8;
	[tilespmem:$0x10400] =	vst v63  }
0x31a: {  	v3 =	vld [tilespmem:$0x3F0];
	_ =	sdelay $0x4  }
0x31b: {  	v63 =	vshll.u32 v3, $0x1  }
0x31c: {  	v3 =	vand.u32 $0x7, v3;
	v4 =	vand.u32 $0xFFFFFFF0, v63  }
0x31d: {  	v3 =	vor.u32 v3, v4  }
0x31e: {  	v4 =	vperm.xlane v3, v0;
	_ =	sdelay $0x1  }
0x31f: {  	v3 =	vperm.xlane v3, v2;
	v4 =	vadd.s32 v1, v4;
	_ =	sdelay $0x1  }
0x320: {  	v3 =	vadd.s32 v1, v3;
	_ =	sdelay $0x1  }
0x321: {  	s31 =	simm.s32 $0xF400  }
0x322: {  	[tilespmem:s31], [sflag:$0x4] =	stream.indirect_vreg.gather [hbm4b:s1+s3], $0x80, v4, vm0, $0xb8;
	[tilespmem:$0x10400] =	vst v63  }
0x323: {  	s26 =	simm.s32 $0xFC00  }
0x324: {  	[tilespmem:s26], [sflag:$0x4] =	stream.indirect_vreg.gather [hbm4b:s1+s3], $0x80, v3, vm0, $0xb8;
	[tilespmem:$0x10400] =	vst v63  }
0x325: {  	_ =	swait.ge [sflag:s13], $0x4000  }
0x326: {  	[sflag:s13] =	ssyncset.done $0x0  }
0x327: {  	s28 =	rddreg [dreg:$0x11];
	[sflag:s13] =	ssyncadd.s32 $0xFFFFC000  }
0x328: {  	[hbm4b:s28+s14] =	stream.strided.scatter [tilespmem:s15], [sflag:$0x5], $0x4000, s16, s14, $0x38;
	[tilespmem:$0x10400] =	vst v63  }
0x329: {  	_ =	swait.ge [sflag:s18], $0x4000  }
0x32a: {  	[sflag:s18] =	ssyncset.done $0x0  }
0x32b: {  	s29 =	rddreg [dreg:$0x12];
	[sflag:s18] =	ssyncadd.s32 $0xFFFFC000  }
0x32c: {  	[hbm4b:s29+s14] =	stream.strided.scatter [tilespmem:s23], [sflag:$0x6], $0x4000, s16, s14, $0x38;
	[tilespmem:$0x10400] =	vst v63  }
0x32d: {  	_ =	swait.ge [sflag:s20], $0x4000  }
0x32e: {  	[sflag:s20] =	ssyncset.done $0x0  }
0x32f: {  	s30 =	rddreg [dreg:$0x13];
	[sflag:s20] =	ssyncadd.s32 $0xFFFFC000  }
0x330: {  	[hbm4b:s30+s14] =	stream.strided.scatter [tilespmem:s2], [sflag:$0x7], $0x4000, s16, s14, $0x38;
	[tilespmem:$0x10400] =	vst v63  }
0x331: {  	_ =	swait.ge [sflag:s22], $0x4000  }
0x332: {  	[sflag:s22] =	ssyncset.done $0x0  }
0x333: {  	s31 =	rddreg [dreg:$0x14];
	[sflag:s22] =	ssyncadd.s32 $0xFFFFC000  }
0x334: {  	[hbm4b:s31+s14] =	stream.strided.scatter [tilespmem:s4], [sflag:$0x8], $0x4000, s16, s14, $0x38;
	[tilespmem:$0x10400] =	vst v63  }
0x335: {  	_ =	swait.ge [sflag:s17], $0x4000  }
0x336: {  	[sflag:s17] =	ssyncset.done $0x0  }
0x337: {  	[sflag:s17] =	ssyncadd.s32 $0xFFFFC000  }
0x338: {  	_ =	swait.ge [sflag:s19], $0x4000  }
0x339: {  	[sflag:s19] =	ssyncset.done $0x0  }
0x33a: {  	[sflag:s19] =	ssyncadd.s32 $0xFFFFC000  }
0x33b: {  	p0 =	sne.s32 s5, $0x1;
	_ =	swait.ge [sflag:s21], $0x4000  }
.Ltmp0:
0x33c: {  	[sflag:s21] =	ssyncset.done $0x0;
	(pc) =	sbr.rel @p0 .LBB2_1-.Ltmp0, $4  }
0x33d: {  	[sflag:s21] =	ssyncadd.s32 $0xFFFFC000  }
0x33e: {  	_ =	swait.ge [sflag:s24], $0x4000  }
0x33f: {  	[sflag:s24] =	ssyncset.done $0x0  }
0x340: {  	s5 =	sadd.s32 $0xFFFFFFFF, s5;
	[sflag:s24] =	ssyncadd.s32 $0xFFFFC000  }
0x341: {  	_ =	sfence.sel $0x180000  }
0x342: {  	[bflag:$0x0] =	sbarrier.arrive $0xFFFF  }
0x343: {  	_ =	strace $0x90000047  }
0x344: {  	s0 =	stileid.u32;
	[bflag:$0x2] =	sbarrier.arrive $0xFFFF  }
0x345: {  	p0 =	sne.s32 s0, $0x0;
	s0 =	rddreg [dreg:$0x3]  }
0x346: {  	s0 =	sadd.s32 @!p0 $0x100000, s0  }
0x347: {  	[sflag:s0] =	ssyncadd.tile.s32 @!p0 $0x1;
	_ =	shalt  }
.Lfunc_end2:
_tile_overlayer_lowered:
.L_overlay_start_2:
0x348: {  	(tag) =	ssettag $0x2  }
0x349: {  	s0 =	rddreg [dreg:$0x0];
	s2 =	stileid.u32  }
0x34a: {  	s1 =	rddreg [dreg:$0x1];
	p0 =	sne.s32 s2, $0x0  }
0x34b: {  	s3 =	rddreg [dreg:$0x2];
	[bflag:$0x3] =	sbarrier.arrive $0xFFFF;
	s2 =	simm.s32 @!p0 $0x1C09  }
0x34c: {  	[timem:s3], [sflag:s2] =	dma.local @!p0 [hbm:s0], s1  }
0x34d: {  	s0 =	simm.s32 @!p0 $0x9  }
0x34e: {  	_ =	swait.ge @!p0 [sflag:s0], s1  }
0x34f: {  	s1 =	ssub.s32 @!p0 $0x0, s1;
	[sflag:s0] =	ssyncset.done @!p0 $0x0  }
0x350: {  	[sflag:s0] =	ssyncadd.s32 @!p0 s1  }
0x351: {  	[bflag:$0x3] =	sbarrier.arrive $0xFFFF  }
0x352: {  	_ =	shalt  }

</sc_bundles>
